<compile_context>
chip_gen: v7x
topology: tpu7x:2x2x1
jax: 0.10.2.dev20260603
libtpu: 0.0.44.dev20260713+nightly
codegen_flags: <defaults>
</compile_context>

<pallas_src>
import functools

import jax
import jax.numpy as jnp
from jax import lax
from jax.experimental import pallas as pl
from jax.experimental.pallas import tpu as pltpu
from jax.experimental.pallas import tpu_sc as plsc

_NW = 32
_CH = 128
_NBUF = 7


def kernel(x, embedding):
    B, S = x.shape
    V, D = embedding.shape
    total = B * S
    bpw = total // _NW
    nch = bpw // _CH
    assert bpw * _NW == total and nch * _CH == bpw
    assert B % _CH == 0
    ngroups = nch // _NBUF

    idx = x.T.reshape(_NW, nch, _CH).astype(jnp.int32)
    mesh = plsc.VectorSubcoreMesh(core_axis_name="c", subcore_axis_name="s")

    @functools.partial(
        pl.kernel,
        out_type=jax.ShapeDtypeStruct((S, B, D), jnp.float32),
        mesh=mesh,
        scratch_types=[
            pltpu.VMEM((nch, _CH), jnp.int32),
            pltpu.VMEM((_NBUF, _CH, D), jnp.float32),
        ]
        + [pltpu.SemaphoreType.DMA] * (2 * _NBUF),
    )
    def emb_lookup(table_hbm, idx_hbm, out_hbm, idx_v, rows_v, *sems):
        gsem, wsem = sems[:_NBUF], sems[_NBUF:]
        wid = lax.axis_index("s") * 2 + lax.axis_index("c")
        pltpu.sync_copy(idx_hbm.at[wid], idx_v)

        def start_gather(j, b):
            pltpu.async_copy(table_hbm.at[idx_v.at[j]], rows_v.at[b], gsem[b])

        def out_slice(j):
            flat = wid * bpw + j * _CH
            return out_hbm.at[flat // B, pl.ds(flat % B, _CH)]

        for b in range(_NBUF):
            start_gather(b, b)

        @pl.loop(0, ngroups * _NBUF, step=_NBUF)
        def _group(j0):
            for b in range(_NBUF):
                j = j0 + b
                pltpu.make_async_copy(
                    table_hbm.at[idx_v.at[j]], rows_v.at[b], gsem[b]
                ).wait()
                pltpu.async_copy(rows_v.at[b], out_slice(j), wsem[b])

                @pl.when(j + _NBUF < nch)
                def _refill():
                    pltpu.make_async_copy(
                        rows_v.at[b], out_slice(j), wsem[b]
                    ).wait()
                    start_gather(j + _NBUF, b)

        for j in range(ngroups * _NBUF, nch):
            b = j % _NBUF
            pltpu.make_async_copy(
                table_hbm.at[idx_v.at[j]], rows_v.at[b], gsem[b]
            ).wait()
            pltpu.async_copy(rows_v.at[b], out_slice(j), wsem[b])

        for b in range(_NBUF):
            pltpu.make_async_copy(rows_v.at[b], out_slice(0), wsem[b]).wait()

    out = emb_lookup(embedding, idx)
    return out.transpose(1, 0, 2)

# --- scband reference (transcript-rebuilt; emitter-appended) ---
"""Pipeline reference for scband-embedding-layer-2576980377983 (READ-ONLY COPY).

The authoritative reference and input builder live on the scoring server;
editing this copy changes nothing except your own understanding.
"""

import jax, jax.numpy as jnp
import numpy as np
import math

VOCAB_SIZE = 100000
HIDDEN_SIZE = 128
B, S = 4096, 50

def setup_inputs(seed: int = 0) -> dict:
    key = jax.random.key(seed)
    k_idx, k_emb = jax.random.split(key)
    x = jax.random.randint(k_idx, (B, S), 0, VOCAB_SIZE, dtype=jnp.int64 if jax.config.jax_enable_x64 else jnp.int32)
    # kaiming_uniform_ with a=sqrt(5) on a [vocab, hidden] tensor:
    # fan_in = hidden_size, gain = sqrt(2/(1+a^2)) = sqrt(1/3), bound = gain*sqrt(3/fan_in) = 1/sqrt(fan_in)
    bound = 1.0 / math.sqrt(HIDDEN_SIZE)
    embedding = jax.random.uniform(k_emb, (VOCAB_SIZE, HIDDEN_SIZE), minval=-bound, maxval=bound, dtype=jnp.float32)
    return {"x": x, "embedding": embedding}

def reference(x, embedding):
    # self.embedding[x] -> gather rows of the embedding table
    return jnp.take(embedding, x, axis=0)

if __name__ == "__main__":
    import jax
    _d = setup_inputs()
    print(jax.jit(kernel)(*tuple(_d.values())))

</pallas_src>

<mosaic_0001>
#map = affine_map<(d0, d1) -> (0, 0)>
#map1 = affine_map<(d0, d1) -> (0, 0, 0)>
module attributes {stable_mosaic.version = 14 : i64} {
  func.func @emb_lookup(%arg0: i32, %arg1: i32, %arg2: memref<100000x128xf32, #tpu.memory_space<hbm>>, %arg3: memref<32x50x128xi32, #tpu.memory_space<hbm>>, %arg4: memref<50x4096x128xf32, #tpu.memory_space<hbm>>, %arg5: memref<50x128xi32, #tpu.memory_space<vmem>>, %arg6: memref<7x128x128xf32, #tpu.memory_space<vmem>>, %arg7: memref<!tpu.dma_semaphore, #tpu.memory_space<semaphore_mem>>, %arg8: memref<!tpu.dma_semaphore, #tpu.memory_space<semaphore_mem>>, %arg9: memref<!tpu.dma_semaphore, #tpu.memory_space<semaphore_mem>>, %arg10: memref<!tpu.dma_semaphore, #tpu.memory_space<semaphore_mem>>, %arg11: memref<!tpu.dma_semaphore, #tpu.memory_space<semaphore_mem>>, %arg12: memref<!tpu.dma_semaphore, #tpu.memory_space<semaphore_mem>>, %arg13: memref<!tpu.dma_semaphore, #tpu.memory_space<semaphore_mem>>, %arg14: memref<!tpu.dma_semaphore, #tpu.memory_space<semaphore_mem>>, %arg15: memref<!tpu.dma_semaphore, #tpu.memory_space<semaphore_mem>>, %arg16: memref<!tpu.dma_semaphore, #tpu.memory_space<semaphore_mem>>, %arg17: memref<!tpu.dma_semaphore, #tpu.memory_space<semaphore_mem>>, %arg18: memref<!tpu.dma_semaphore, #tpu.memory_space<semaphore_mem>>, %arg19: memref<!tpu.dma_semaphore, #tpu.memory_space<semaphore_mem>>, %arg20: memref<!tpu.dma_semaphore, #tpu.memory_space<semaphore_mem>>) attributes {dimension_semantics = [#tpu.dimension_semantics<core_parallel>, #tpu.dimension_semantics<subcore_parallel>], iteration_bounds = array<i64: 2, 16>, scalar_prefetch = 0 : i64, scratch_operands = 16 : i64, tpu.core_type = #tpu.core_type<sc_vector_subcore>, window_params = [{transform_indices = #map}, {transform_indices = #map1}, {transform_indices = #map1}]} {
    %mul3A = arith.constant 2 : i32
    %mul3A_0 = arith.muli %arg1, %mul3A : i32
    %add3A = arith.addi %mul3A_0, %arg0 : i32
    "tpu.region"() ({
      %run_scoped3A = tpu.sem_alloc : memref<!tpu.dma_semaphore, #tpu.memory_space<semaphore_mem>>
      %dma_start3A_561 = arith.constant 0 : i32
      %dma_start3A_562 = arith.constant 0 : i32
      %dma_start3A_563 = tpu.memref_slice %arg3[%add3A, %dma_start3A_561, %dma_start3A_562] : memref<32x50x128xi32, #tpu.memory_space<hbm>> -> memref<1x50x128xi32, #tpu.memory_space<hbm>>
      %dma_start3A_564 = tpu.memref_squeeze %dma_start3A_563 : memref<1x50x128xi32, #tpu.memory_space<hbm>> -> memref<50x128xi32, #tpu.memory_space<hbm>>
      %dma_start3A_565 = arith.constant 0 : i32
      %dma_start3A_566 = arith.constant 0 : i32
      %dma_start3A_567 = tpu.memref_slice %arg3[%add3A, %dma_start3A_565, %dma_start3A_566] : memref<32x50x128xi32, #tpu.memory_space<hbm>> -> memref<1x50x128xi32, #tpu.memory_space<hbm>>
      %dma_start3A_568 = tpu.memref_squeeze %dma_start3A_567 : memref<1x50x128xi32, #tpu.memory_space<hbm>> -> memref<50x128xi32, #tpu.memory_space<hbm>>
      tpu.enqueue_dma source(%dma_start3A_568 : memref<50x128xi32, #tpu.memory_space<hbm>>) target(%arg5 : memref<50x128xi32, #tpu.memory_space<vmem>>) target_semaphore(%run_scoped3A : memref<!tpu.dma_semaphore, #tpu.memory_space<semaphore_mem>>)
      %dma_wait3A_569 = arith.constant 0 : i32
      %dma_wait3A_570 = arith.constant 0 : i32
      %dma_wait3A_571 = tpu.memref_slice %arg3[%add3A, %dma_wait3A_569, %dma_wait3A_570] : memref<32x50x128xi32, #tpu.memory_space<hbm>> -> memref<1x50x128xi32, #tpu.memory_space<hbm>>
      %dma_wait3A_572 = tpu.memref_squeeze %dma_wait3A_571 : memref<1x50x128xi32, #tpu.memory_space<hbm>> -> memref<50x128xi32, #tpu.memory_space<hbm>>
      %dma_wait3A_573 = arith.constant 0 : i32
      %dma_wait3A_574 = arith.constant 0 : i32
      %dma_wait3A_575 = tpu.memref_slice %arg3[%add3A, %dma_wait3A_573, %dma_wait3A_574] : memref<32x50x128xi32, #tpu.memory_space<hbm>> -> memref<1x50x128xi32, #tpu.memory_space<hbm>>
      %dma_wait3A_576 = tpu.memref_squeeze %dma_wait3A_575 : memref<1x50x128xi32, #tpu.memory_space<hbm>> -> memref<50x128xi32, #tpu.memory_space<hbm>>
      tpu.wait_dma2 semaphore(%run_scoped3A : memref<!tpu.dma_semaphore, #tpu.memory_space<semaphore_mem>>) src(%dma_wait3A_576 : memref<50x128xi32, #tpu.memory_space<hbm>>) dst(%arg5 : memref<50x128xi32, #tpu.memory_space<vmem>>)
      tpu.yield
    }) : () -> ()
    %dma_start3A = arith.constant 0 : i32
    %dma_start3A_1 = arith.constant 0 : i32
    %dma_start3A_2 = arith.constant 0 : i32
    %dma_start3A_3 = arith.constant 0 : i32
    %dma_start3A_4 = tpu.memref_slice %arg6[%dma_start3A_1, %dma_start3A_2, %dma_start3A_3] : memref<7x128x128xf32, #tpu.memory_space<vmem>> -> memref<1x128x128xf32, #tpu.memory_space<vmem>>
    %dma_start3A_5 = tpu.memref_squeeze %dma_start3A_4 : memref<1x128x128xf32, #tpu.memory_space<vmem>> -> memref<128x128xf32, #tpu.memory_space<vmem>>
    %dma_start3A_6 = arith.constant 0 : i32
    %dma_start3A_7 = tpu.memref_slice %arg5[%dma_start3A, %dma_start3A_6] : memref<50x128xi32, #tpu.memory_space<vmem>> -> memref<1x128xi32, #tpu.memory_space<vmem>>
    %dma_start3A_8 = tpu.memref_squeeze %dma_start3A_7 : memref<1x128xi32, #tpu.memory_space<vmem>> -> memref<128xi32, #tpu.memory_space<vmem>>
    %dma_start3A_9 = arith.constant 0 : i32
    %dma_start3A_10 = arith.constant 0 : i32
    %dma_start3A_11 = tpu.memref_slice %arg2[%dma_start3A_9, %dma_start3A_10] : memref<100000x128xf32, #tpu.memory_space<hbm>> -> memref<100000x128xf32, #tpu.memory_space<hbm>>
    tpu.enqueue_indirect_dma source(%dma_start3A_11 : memref<100000x128xf32, #tpu.memory_space<hbm>>) target(%dma_start3A_5 : memref<128x128xf32, #tpu.memory_space<vmem>>) offsets(%dma_start3A_8 : memref<128xi32, #tpu.memory_space<vmem>>) semaphore(%arg7 : memref<!tpu.dma_semaphore, #tpu.memory_space<semaphore_mem>>)
    %dma_start3A_12 = arith.constant 1 : i32
    %dma_start3A_13 = arith.constant 1 : i32
    %dma_start3A_14 = arith.constant 0 : i32
    %dma_start3A_15 = arith.constant 0 : i32
    %dma_start3A_16 = tpu.memref_slice %arg6[%dma_start3A_13, %dma_start3A_14, %dma_start3A_15] : memref<7x128x128xf32, #tpu.memory_space<vmem>> -> memref<1x128x128xf32, #tpu.memory_space<vmem>>
    %dma_start3A_17 = tpu.memref_squeeze %dma_start3A_16 : memref<1x128x128xf32, #tpu.memory_space<vmem>> -> memref<128x128xf32, #tpu.memory_space<vmem>>
    %dma_start3A_18 = arith.constant 0 : i32
    %dma_start3A_19 = tpu.memref_slice %arg5[%dma_start3A_12, %dma_start3A_18] : memref<50x128xi32, #tpu.memory_space<vmem>> -> memref<1x128xi32, #tpu.memory_space<vmem>>
    %dma_start3A_20 = tpu.memref_squeeze %dma_start3A_19 : memref<1x128xi32, #tpu.memory_space<vmem>> -> memref<128xi32, #tpu.memory_space<vmem>>
    %dma_start3A_21 = arith.constant 0 : i32
    %dma_start3A_22 = arith.constant 0 : i32
    %dma_start3A_23 = tpu.memref_slice %arg2[%dma_start3A_21, %dma_start3A_22] : memref<100000x128xf32, #tpu.memory_space<hbm>> -> memref<100000x128xf32, #tpu.memory_space<hbm>>
    tpu.enqueue_indirect_dma source(%dma_start3A_23 : memref<100000x128xf32, #tpu.memory_space<hbm>>) target(%dma_start3A_17 : memref<128x128xf32, #tpu.memory_space<vmem>>) offsets(%dma_start3A_20 : memref<128xi32, #tpu.memory_space<vmem>>) semaphore(%arg8 : memref<!tpu.dma_semaphore, #tpu.memory_space<semaphore_mem>>)
    %dma_start3A_24 = arith.constant 2 : i32
    %dma_start3A_25 = arith.constant 2 : i32
    %dma_start3A_26 = arith.constant 0 : i32
    %dma_start3A_27 = arith.constant 0 : i32
    %dma_start3A_28 = tpu.memref_slice %arg6[%dma_start3A_25, %dma_start3A_26, %dma_start3A_27] : memref<7x128x128xf32, #tpu.memory_space<vmem>> -> memref<1x128x128xf32, #tpu.memory_space<vmem>>
    %dma_start3A_29 = tpu.memref_squeeze %dma_start3A_28 : memref<1x128x128xf32, #tpu.memory_space<vmem>> -> memref<128x128xf32, #tpu.memory_space<vmem>>
    %dma_start3A_30 = arith.constant 0 : i32
    %dma_start3A_31 = tpu.memref_slice %arg5[%dma_start3A_24, %dma_start3A_30] : memref<50x128xi32, #tpu.memory_space<vmem>> -> memref<1x128xi32, #tpu.memory_space<vmem>>
    %dma_start3A_32 = tpu.memref_squeeze %dma_start3A_31 : memref<1x128xi32, #tpu.memory_space<vmem>> -> memref<128xi32, #tpu.memory_space<vmem>>
    %dma_start3A_33 = arith.constant 0 : i32
    %dma_start3A_34 = arith.constant 0 : i32
    %dma_start3A_35 = tpu.memref_slice %arg2[%dma_start3A_33, %dma_start3A_34] : memref<100000x128xf32, #tpu.memory_space<hbm>> -> memref<100000x128xf32, #tpu.memory_space<hbm>>
    tpu.enqueue_indirect_dma source(%dma_start3A_35 : memref<100000x128xf32, #tpu.memory_space<hbm>>) target(%dma_start3A_29 : memref<128x128xf32, #tpu.memory_space<vmem>>) offsets(%dma_start3A_32 : memref<128xi32, #tpu.memory_space<vmem>>) semaphore(%arg9 : memref<!tpu.dma_semaphore, #tpu.memory_space<semaphore_mem>>)
    %dma_start3A_36 = arith.constant 3 : i32
    %dma_start3A_37 = arith.constant 3 : i32
    %dma_start3A_38 = arith.constant 0 : i32
    %dma_start3A_39 = arith.constant 0 : i32
    %dma_start3A_40 = tpu.memref_slice %arg6[%dma_start3A_37, %dma_start3A_38, %dma_start3A_39] : memref<7x128x128xf32, #tpu.memory_space<vmem>> -> memref<1x128x128xf32, #tpu.memory_space<vmem>>
    %dma_start3A_41 = tpu.memref_squeeze %dma_start3A_40 : memref<1x128x128xf32, #tpu.memory_space<vmem>> -> memref<128x128xf32, #tpu.memory_space<vmem>>
    %dma_start3A_42 = arith.constant 0 : i32
    %dma_start3A_43 = tpu.memref_slice %arg5[%dma_start3A_36, %dma_start3A_42] : memref<50x128xi32, #tpu.memory_space<vmem>> -> memref<1x128xi32, #tpu.memory_space<vmem>>
    %dma_start3A_44 = tpu.memref_squeeze %dma_start3A_43 : memref<1x128xi32, #tpu.memory_space<vmem>> -> memref<128xi32, #tpu.memory_space<vmem>>
    %dma_start3A_45 = arith.constant 0 : i32
    %dma_start3A_46 = arith.constant 0 : i32
    %dma_start3A_47 = tpu.memref_slice %arg2[%dma_start3A_45, %dma_start3A_46] : memref<100000x128xf32, #tpu.memory_space<hbm>> -> memref<100000x128xf32, #tpu.memory_space<hbm>>
    tpu.enqueue_indirect_dma source(%dma_start3A_47 : memref<100000x128xf32, #tpu.memory_space<hbm>>) target(%dma_start3A_41 : memref<128x128xf32, #tpu.memory_space<vmem>>) offsets(%dma_start3A_44 : memref<128xi32, #tpu.memory_space<vmem>>) semaphore(%arg10 : memref<!tpu.dma_semaphore, #tpu.memory_space<semaphore_mem>>)
    %dma_start3A_48 = arith.constant 4 : i32
    %dma_start3A_49 = arith.constant 4 : i32
    %dma_start3A_50 = arith.constant 0 : i32
    %dma_start3A_51 = arith.constant 0 : i32
    %dma_start3A_52 = tpu.memref_slice %arg6[%dma_start3A_49, %dma_start3A_50, %dma_start3A_51] : memref<7x128x128xf32, #tpu.memory_space<vmem>> -> memref<1x128x128xf32, #tpu.memory_space<vmem>>
    %dma_start3A_53 = tpu.memref_squeeze %dma_start3A_52 : memref<1x128x128xf32, #tpu.memory_space<vmem>> -> memref<128x128xf32, #tpu.memory_space<vmem>>
    %dma_start3A_54 = arith.constant 0 : i32
    %dma_start3A_55 = tpu.memref_slice %arg5[%dma_start3A_48, %dma_start3A_54] : memref<50x128xi32, #tpu.memory_space<vmem>> -> memref<1x128xi32, #tpu.memory_space<vmem>>
    %dma_start3A_56 = tpu.memref_squeeze %dma_start3A_55 : memref<1x128xi32, #tpu.memory_space<vmem>> -> memref<128xi32, #tpu.memory_space<vmem>>
    %dma_start3A_57 = arith.constant 0 : i32
    %dma_start3A_58 = arith.constant 0 : i32
    %dma_start3A_59 = tpu.memref_slice %arg2[%dma_start3A_57, %dma_start3A_58] : memref<100000x128xf32, #tpu.memory_space<hbm>> -> memref<100000x128xf32, #tpu.memory_space<hbm>>
    tpu.enqueue_indirect_dma source(%dma_start3A_59 : memref<100000x128xf32, #tpu.memory_space<hbm>>) target(%dma_start3A_53 : memref<128x128xf32, #tpu.memory_space<vmem>>) offsets(%dma_start3A_56 : memref<128xi32, #tpu.memory_space<vmem>>) semaphore(%arg11 : memref<!tpu.dma_semaphore, #tpu.memory_space<semaphore_mem>>)
    %dma_start3A_60 = arith.constant 5 : i32
    %dma_start3A_61 = arith.constant 5 : i32
    %dma_start3A_62 = arith.constant 0 : i32
    %dma_start3A_63 = arith.constant 0 : i32
    %dma_start3A_64 = tpu.memref_slice %arg6[%dma_start3A_61, %dma_start3A_62, %dma_start3A_63] : memref<7x128x128xf32, #tpu.memory_space<vmem>> -> memref<1x128x128xf32, #tpu.memory_space<vmem>>
    %dma_start3A_65 = tpu.memref_squeeze %dma_start3A_64 : memref<1x128x128xf32, #tpu.memory_space<vmem>> -> memref<128x128xf32, #tpu.memory_space<vmem>>
    %dma_start3A_66 = arith.constant 0 : i32
    %dma_start3A_67 = tpu.memref_slice %arg5[%dma_start3A_60, %dma_start3A_66] : memref<50x128xi32, #tpu.memory_space<vmem>> -> memref<1x128xi32, #tpu.memory_space<vmem>>
    %dma_start3A_68 = tpu.memref_squeeze %dma_start3A_67 : memref<1x128xi32, #tpu.memory_space<vmem>> -> memref<128xi32, #tpu.memory_space<vmem>>
    %dma_start3A_69 = arith.constant 0 : i32
    %dma_start3A_70 = arith.constant 0 : i32
    %dma_start3A_71 = tpu.memref_slice %arg2[%dma_start3A_69, %dma_start3A_70] : memref<100000x128xf32, #tpu.memory_space<hbm>> -> memref<100000x128xf32, #tpu.memory_space<hbm>>
    tpu.enqueue_indirect_dma source(%dma_start3A_71 : memref<100000x128xf32, #tpu.memory_space<hbm>>) target(%dma_start3A_65 : memref<128x128xf32, #tpu.memory_space<vmem>>) offsets(%dma_start3A_68 : memref<128xi32, #tpu.memory_space<vmem>>) semaphore(%arg12 : memref<!tpu.dma_semaphore, #tpu.memory_space<semaphore_mem>>)
    %dma_start3A_72 = arith.constant 6 : i32
    %dma_start3A_73 = arith.constant 6 : i32
    %dma_start3A_74 = arith.constant 0 : i32
    %dma_start3A_75 = arith.constant 0 : i32
    %dma_start3A_76 = tpu.memref_slice %arg6[%dma_start3A_73, %dma_start3A_74, %dma_start3A_75] : memref<7x128x128xf32, #tpu.memory_space<vmem>> -> memref<1x128x128xf32, #tpu.memory_space<vmem>>
    %dma_start3A_77 = tpu.memref_squeeze %dma_start3A_76 : memref<1x128x128xf32, #tpu.memory_space<vmem>> -> memref<128x128xf32, #tpu.memory_space<vmem>>
    %dma_start3A_78 = arith.constant 0 : i32
    %dma_start3A_79 = tpu.memref_slice %arg5[%dma_start3A_72, %dma_start3A_78] : memref<50x128xi32, #tpu.memory_space<vmem>> -> memref<1x128xi32, #tpu.memory_space<vmem>>
    %dma_start3A_80 = tpu.memref_squeeze %dma_start3A_79 : memref<1x128xi32, #tpu.memory_space<vmem>> -> memref<128xi32, #tpu.memory_space<vmem>>
    %dma_start3A_81 = arith.constant 0 : i32
    %dma_start3A_82 = arith.constant 0 : i32
    %dma_start3A_83 = tpu.memref_slice %arg2[%dma_start3A_81, %dma_start3A_82] : memref<100000x128xf32, #tpu.memory_space<hbm>> -> memref<100000x128xf32, #tpu.memory_space<hbm>>
    tpu.enqueue_indirect_dma source(%dma_start3A_83 : memref<100000x128xf32, #tpu.memory_space<hbm>>) target(%dma_start3A_77 : memref<128x128xf32, #tpu.memory_space<vmem>>) offsets(%dma_start3A_80 : memref<128xi32, #tpu.memory_space<vmem>>) semaphore(%arg13 : memref<!tpu.dma_semaphore, #tpu.memory_space<semaphore_mem>>)
    %scan3A = arith.constant 0 : i32
    %scan3A_84 = arith.constant 7 : i32
    %scan3A_85 = arith.addi %scan3A, %scan3A_84 : i32
    %scan3A_86 = arith.constant 1 : i32
    scf.for %scan3A_561 = %scan3A to %scan3A_85 step %scan3A_86  : i32 {
      %mul3A_562 = arith.constant 7 : i32
      %mul3A_563 = arith.muli %scan3A_561, %mul3A_562 : i32
      %add3A_564 = arith.constant 0 : i32
      %add3A_565 = arith.addi %add3A_564, %mul3A_563 : i32
      %add3A_566 = arith.constant 0 : i32
      %add3A_567 = arith.addi %add3A_565, %add3A_566 : i32
      %dma_wait3A_568 = arith.constant 0 : i32
      %dma_wait3A_569 = arith.constant 0 : i32
      %dma_wait3A_570 = arith.constant 0 : i32
      %dma_wait3A_571 = tpu.memref_slice %arg6[%dma_wait3A_568, %dma_wait3A_569, %dma_wait3A_570] : memref<7x128x128xf32, #tpu.memory_space<vmem>> -> memref<1x128x128xf32, #tpu.memory_space<vmem>>
      %dma_wait3A_572 = tpu.memref_squeeze %dma_wait3A_571 : memref<1x128x128xf32, #tpu.memory_space<vmem>> -> memref<128x128xf32, #tpu.memory_space<vmem>>
      %dma_wait3A_573 = arith.constant 0 : i32
      %dma_wait3A_574 = tpu.memref_slice %arg5[%add3A_567, %dma_wait3A_573] : memref<50x128xi32, #tpu.memory_space<vmem>> -> memref<1x128xi32, #tpu.memory_space<vmem>>
      %dma_wait3A_575 = tpu.memref_squeeze %dma_wait3A_574 : memref<1x128xi32, #tpu.memory_space<vmem>> -> memref<128xi32, #tpu.memory_space<vmem>>
      %dma_wait3A_576 = arith.constant 0 : i32
      %dma_wait3A_577 = arith.constant 0 : i32
      %dma_wait3A_578 = tpu.memref_slice %arg2[%dma_wait3A_576, %dma_wait3A_577] : memref<100000x128xf32, #tpu.memory_space<hbm>> -> memref<100000x128xf32, #tpu.memory_space<hbm>>
      tpu.wait_indirect_dma semaphore(%arg7 : memref<!tpu.dma_semaphore, #tpu.memory_space<semaphore_mem>>) src(%dma_wait3A_578 : memref<100000x128xf32, #tpu.memory_space<hbm>>) dst(%dma_wait3A_572 : memref<128x128xf32, #tpu.memory_space<vmem>>)
      %mul3A_579 = arith.constant 6400 : i32
      %mul3A_580 = arith.muli %add3A, %mul3A_579 : i32
      %mul3A_581 = arith.constant 128 : i32
      %mul3A_582 = arith.muli %add3A_567, %mul3A_581 : i32
      %add3A_583 = arith.addi %mul3A_580, %mul3A_582 : i32
      %jit3A_584 = arith.constant 4096 : i32
      %div3A_585 = arith.divsi %add3A_583, %jit3A_584 : i32
      %sign3A_586 = arith.constant 0 : i32
      %sign3A_587 = arith.cmpi sgt, %add3A_583, %sign3A_586 : i32
      %sign3A_588 = arith.extui %sign3A_587 : i1 to i32
      %sign3A_589 = arith.constant 0 : i32
      %sign3A_590 = arith.cmpi slt, %add3A_583, %sign3A_589 : i32
      %sign3A_591 = arith.extui %sign3A_590 : i1 to i32
      %sign3A_592 = arith.subi %sign3A_588, %sign3A_591 : i32
      %sign3A_593 = arith.constant 0 : i32
      %sign3A_594 = arith.cmpi sgt, %jit3A_584, %sign3A_593 : i32
      %sign3A_595 = arith.extui %sign3A_594 : i1 to i32
      %sign3A_596 = arith.constant 0 : i32
      %sign3A_597 = arith.cmpi slt, %jit3A_584, %sign3A_596 : i32
      %sign3A_598 = arith.extui %sign3A_597 : i1 to i32
      %sign3A_599 = arith.subi %sign3A_595, %sign3A_598 : i32
      %ne3A_600 = arith.cmpi ne, %sign3A_592, %sign3A_599 : i32
      %rem3A_601 = arith.remsi %add3A_583, %jit3A_584 : i32
      %ne3A_602 = arith.constant 0 : i32
      %ne3A_603 = arith.cmpi ne, %rem3A_601, %ne3A_602 : i32
      %and3A_604 = arith.andi %ne3A_600, %ne3A_603 : i1
      %sub3A_605 = arith.constant 1 : i32
      %sub3A_606 = arith.subi %div3A_585, %sub3A_605 : i32
      %select_n3A_607 = arith.select %and3A_604, %sub3A_606, %div3A_585 : i32
      %jit3A_608 = arith.constant 4096 : i32
      %eq3A_609 = arith.constant 0 : i32
      %eq3A_610 = arith.cmpi eq, %jit3A_608, %eq3A_609 : i32
      %jit3A_611 = arith.constant 1 : i32
      %select_n3A_612 = arith.select %eq3A_610, %jit3A_611, %jit3A_608 : i32
      %rem3A_613 = arith.remsi %add3A_583, %select_n3A_612 : i32
      %ne3A_614 = arith.constant 0 : i32
      %ne3A_615 = arith.cmpi ne, %rem3A_613, %ne3A_614 : i32
      %lt3A_616 = arith.constant 0 : i32
      %lt3A_617 = arith.cmpi slt, %rem3A_613, %lt3A_616 : i32
      %lt3A_618 = arith.constant 0 : i32
      %lt3A_619 = arith.cmpi slt, %select_n3A_612, %lt3A_618 : i32
      %ne3A_620 = arith.xori %lt3A_617, %lt3A_619 : i1
      %and3A_621 = arith.andi %ne3A_620, %ne3A_615 : i1
      %add3A_622 = arith.addi %rem3A_613, %select_n3A_612 : i32
      %select_n3A_623 = arith.select %and3A_621, %add3A_622, %rem3A_613 : i32
      %dma_start3A_624 = arith.constant 0 : i32
      %dma_start3A_625 = arith.constant 0 : i32
      %dma_start3A_626 = arith.constant 0 : i32
      %dma_start3A_627 = tpu.memref_slice %arg6[%dma_start3A_624, %dma_start3A_625, %dma_start3A_626] : memref<7x128x128xf32, #tpu.memory_space<vmem>> -> memref<1x128x128xf32, #tpu.memory_space<vmem>>
      %dma_start3A_628 = tpu.memref_squeeze %dma_start3A_627 : memref<1x128x128xf32, #tpu.memory_space<vmem>> -> memref<128x128xf32, #tpu.memory_space<vmem>>
      %dma_start3A_629 = arith.constant 0 : i32
      %dma_start3A_630 = tpu.memref_slice %arg4[%select_n3A_607, %select_n3A_623, %dma_start3A_629] : memref<50x4096x128xf32, #tpu.memory_space<hbm>> -> memref<1x128x128xf32, #tpu.memory_space<hbm>>
      %dma_start3A_631 = tpu.memref_squeeze %dma_start3A_630 : memref<1x128x128xf32, #tpu.memory_space<hbm>> -> memref<128x128xf32, #tpu.memory_space<hbm>>
      %dma_start3A_632 = arith.constant 0 : i32
      %dma_start3A_633 = tpu.memref_slice %arg4[%select_n3A_607, %select_n3A_623, %dma_start3A_632] : memref<50x4096x128xf32, #tpu.memory_space<hbm>> -> memref<1x128x128xf32, #tpu.memory_space<hbm>>
      %dma_start3A_634 = tpu.memref_squeeze %dma_start3A_633 : memref<1x128x128xf32, #tpu.memory_space<hbm>> -> memref<128x128xf32, #tpu.memory_space<hbm>>
      %dma_start3A_635 = arith.constant 0 : i32
      %dma_start3A_636 = arith.constant 0 : i32
      %dma_start3A_637 = tpu.memref_slice %arg6[%dma_start3A_624, %dma_start3A_635, %dma_start3A_636] : memref<7x128x128xf32, #tpu.memory_space<vmem>> -> memref<1x128x128xf32, #tpu.memory_space<vmem>>
      %dma_start3A_638 = tpu.memref_squeeze %dma_start3A_637 : memref<1x128x128xf32, #tpu.memory_space<vmem>> -> memref<128x128xf32, #tpu.memory_space<vmem>>
      tpu.enqueue_dma source(%dma_start3A_638 : memref<128x128xf32, #tpu.memory_space<vmem>>) target(%dma_start3A_634 : memref<128x128xf32, #tpu.memory_space<hbm>>) target_semaphore(%arg14 : memref<!tpu.dma_semaphore, #tpu.memory_space<semaphore_mem>>)
      %add3A_639 = arith.constant 7 : i32
      %add3A_640 = arith.addi %add3A_567, %add3A_639 : i32
      %lt3A_641 = arith.constant 50 : i32
      %lt3A_642 = arith.cmpi slt, %add3A_640, %lt3A_641 : i32
      %convert_element_type3A = arith.extui %lt3A_642 : i1 to i32
      %cond3A = arith.constant 0 : i32
      %cond3A_643 = arith.cmpi ne, %convert_element_type3A, %cond3A : i32
      scf.if %cond3A_643 {
        %mul3A_1124 = arith.constant 6400 : i32
        %mul3A_1125 = arith.muli %add3A, %mul3A_1124 : i32
        %mul3A_1126 = arith.constant 128 : i32
        %mul3A_1127 = arith.muli %add3A_567, %mul3A_1126 : i32
        %add3A_1128 = arith.addi %mul3A_1125, %mul3A_1127 : i32
        %jit3A_1129 = arith.constant 4096 : i32
        %div3A_1130 = arith.divsi %add3A_1128, %jit3A_1129 : i32
        %sign3A_1131 = arith.constant 0 : i32
        %sign3A_1132 = arith.cmpi sgt, %add3A_1128, %sign3A_1131 : i32
        %sign3A_1133 = arith.extui %sign3A_1132 : i1 to i32
        %sign3A_1134 = arith.constant 0 : i32
        %sign3A_1135 = arith.cmpi slt, %add3A_1128, %sign3A_1134 : i32
        %sign3A_1136 = arith.extui %sign3A_1135 : i1 to i32
        %sign3A_1137 = arith.subi %sign3A_1133, %sign3A_1136 : i32
        %sign3A_1138 = arith.constant 0 : i32
        %sign3A_1139 = arith.cmpi sgt, %jit3A_1129, %sign3A_1138 : i32
        %sign3A_1140 = arith.extui %sign3A_1139 : i1 to i32
        %sign3A_1141 = arith.constant 0 : i32
        %sign3A_1142 = arith.cmpi slt, %jit3A_1129, %sign3A_1141 : i32
        %sign3A_1143 = arith.extui %sign3A_1142 : i1 to i32
        %sign3A_1144 = arith.subi %sign3A_1140, %sign3A_1143 : i32
        %ne3A_1145 = arith.cmpi ne, %sign3A_1137, %sign3A_1144 : i32
        %rem3A_1146 = arith.remsi %add3A_1128, %jit3A_1129 : i32
        %ne3A_1147 = arith.constant 0 : i32
        %ne3A_1148 = arith.cmpi ne, %rem3A_1146, %ne3A_1147 : i32
        %and3A_1149 = arith.andi %ne3A_1145, %ne3A_1148 : i1
        %sub3A_1150 = arith.constant 1 : i32
        %sub3A_1151 = arith.subi %div3A_1130, %sub3A_1150 : i32
        %select_n3A_1152 = arith.select %and3A_1149, %sub3A_1151, %div3A_1130 : i32
        %jit3A_1153 = arith.constant 4096 : i32
        %eq3A_1154 = arith.constant 0 : i32
        %eq3A_1155 = arith.cmpi eq, %jit3A_1153, %eq3A_1154 : i32
        %jit3A_1156 = arith.constant 1 : i32
        %select_n3A_1157 = arith.select %eq3A_1155, %jit3A_1156, %jit3A_1153 : i32
        %rem3A_1158 = arith.remsi %add3A_1128, %select_n3A_1157 : i32
        %ne3A_1159 = arith.constant 0 : i32
        %ne3A_1160 = arith.cmpi ne, %rem3A_1158, %ne3A_1159 : i32
        %lt3A_1161 = arith.constant 0 : i32
        %lt3A_1162 = arith.cmpi slt, %rem3A_1158, %lt3A_1161 : i32
        %lt3A_1163 = arith.constant 0 : i32
        %lt3A_1164 = arith.cmpi slt, %select_n3A_1157, %lt3A_1163 : i32
        %ne3A_1165 = arith.xori %lt3A_1162, %lt3A_1164 : i1
        %and3A_1166 = arith.andi %ne3A_1165, %ne3A_1160 : i1
        %add3A_1167 = arith.addi %rem3A_1158, %select_n3A_1157 : i32
        %select_n3A_1168 = arith.select %and3A_1166, %add3A_1167, %rem3A_1158 : i32
        %dma_wait3A_1169 = arith.constant 0 : i32
        %dma_wait3A_1170 = arith.constant 0 : i32
        %dma_wait3A_1171 = arith.constant 0 : i32
        %dma_wait3A_1172 = tpu.memref_slice %arg6[%dma_wait3A_1169, %dma_wait3A_1170, %dma_wait3A_1171] : memref<7x128x128xf32, #tpu.memory_space<vmem>> -> memref<1x128x128xf32, #tpu.memory_space<vmem>>
        %dma_wait3A_1173 = tpu.memref_squeeze %dma_wait3A_1172 : memref<1x128x128xf32, #tpu.memory_space<vmem>> -> memref<128x128xf32, #tpu.memory_space<vmem>>
        %dma_wait3A_1174 = arith.constant 0 : i32
        %dma_wait3A_1175 = tpu.memref_slice %arg4[%select_n3A_1152, %select_n3A_1168, %dma_wait3A_1174] : memref<50x4096x128xf32, #tpu.memory_space<hbm>> -> memref<1x128x128xf32, #tpu.memory_space<hbm>>
        %dma_wait3A_1176 = tpu.memref_squeeze %dma_wait3A_1175 : memref<1x128x128xf32, #tpu.memory_space<hbm>> -> memref<128x128xf32, #tpu.memory_space<hbm>>
        %dma_wait3A_1177 = arith.constant 0 : i32
        %dma_wait3A_1178 = tpu.memref_slice %arg4[%select_n3A_1152, %select_n3A_1168, %dma_wait3A_1177] : memref<50x4096x128xf32, #tpu.memory_space<hbm>> -> memref<1x128x128xf32, #tpu.memory_space<hbm>>
        %dma_wait3A_1179 = tpu.memref_squeeze %dma_wait3A_1178 : memref<1x128x128xf32, #tpu.memory_space<hbm>> -> memref<128x128xf32, #tpu.memory_space<hbm>>
        %dma_wait3A_1180 = arith.constant 0 : i32
        %dma_wait3A_1181 = arith.constant 0 : i32
        %dma_wait3A_1182 = tpu.memref_slice %arg6[%dma_wait3A_1169, %dma_wait3A_1180, %dma_wait3A_1181] : memref<7x128x128xf32, #tpu.memory_space<vmem>> -> memref<1x128x128xf32, #tpu.memory_space<vmem>>
        %dma_wait3A_1183 = tpu.memref_squeeze %dma_wait3A_1182 : memref<1x128x128xf32, #tpu.memory_space<vmem>> -> memref<128x128xf32, #tpu.memory_space<vmem>>
        tpu.wait_dma2 semaphore(%arg14 : memref<!tpu.dma_semaphore, #tpu.memory_space<semaphore_mem>>) src(%dma_wait3A_1183 : memref<128x128xf32, #tpu.memory_space<vmem>>) dst(%dma_wait3A_1179 : memref<128x128xf32, #tpu.memory_space<hbm>>)
        %add3A_1184 = arith.constant 7 : i32
        %add3A_1185 = arith.addi %add3A_567, %add3A_1184 : i32
        %dma_start3A_1186 = arith.constant 0 : i32
        %dma_start3A_1187 = arith.constant 0 : i32
        %dma_start3A_1188 = arith.constant 0 : i32
        %dma_start3A_1189 = tpu.memref_slice %arg6[%dma_start3A_1186, %dma_start3A_1187, %dma_start3A_1188] : memref<7x128x128xf32, #tpu.memory_space<vmem>> -> memref<1x128x128xf32, #tpu.memory_space<vmem>>
        %dma_start3A_1190 = tpu.memref_squeeze %dma_start3A_1189 : memref<1x128x128xf32, #tpu.memory_space<vmem>> -> memref<128x128xf32, #tpu.memory_space<vmem>>
        %dma_start3A_1191 = arith.constant 0 : i32
        %dma_start3A_1192 = tpu.memref_slice %arg5[%add3A_1185, %dma_start3A_1191] : memref<50x128xi32, #tpu.memory_space<vmem>> -> memref<1x128xi32, #tpu.memory_space<vmem>>
        %dma_start3A_1193 = tpu.memref_squeeze %dma_start3A_1192 : memref<1x128xi32, #tpu.memory_space<vmem>> -> memref<128xi32, #tpu.memory_space<vmem>>
        %dma_start3A_1194 = arith.constant 0 : i32
        %dma_start3A_1195 = arith.constant 0 : i32
        %dma_start3A_1196 = tpu.memref_slice %arg2[%dma_start3A_1194, %dma_start3A_1195] : memref<100000x128xf32, #tpu.memory_space<hbm>> -> memref<100000x128xf32, #tpu.memory_space<hbm>>
        tpu.enqueue_indirect_dma source(%dma_start3A_1196 : memref<100000x128xf32, #tpu.memory_space<hbm>>) target(%dma_start3A_1190 : memref<128x128xf32, #tpu.memory_space<vmem>>) offsets(%dma_start3A_1193 : memref<128xi32, #tpu.memory_space<vmem>>) semaphore(%arg7 : memref<!tpu.dma_semaphore, #tpu.memory_space<semaphore_mem>>)
      } else {
      }
      %add3A_644 = arith.constant 1 : i32
      %add3A_645 = arith.addi %add3A_565, %add3A_644 : i32
      %dma_wait3A_646 = arith.constant 1 : i32
      %dma_wait3A_647 = arith.constant 0 : i32
      %dma_wait3A_648 = arith.constant 0 : i32
      %dma_wait3A_649 = tpu.memref_slice %arg6[%dma_wait3A_646, %dma_wait3A_647, %dma_wait3A_648] : memref<7x128x128xf32, #tpu.memory_space<vmem>> -> memref<1x128x128xf32, #tpu.memory_space<vmem>>
      %dma_wait3A_650 = tpu.memref_squeeze %dma_wait3A_649 : memref<1x128x128xf32, #tpu.memory_space<vmem>> -> memref<128x128xf32, #tpu.memory_space<vmem>>
      %dma_wait3A_651 = arith.constant 0 : i32
      %dma_wait3A_652 = tpu.memref_slice %arg5[%add3A_645, %dma_wait3A_651] : memref<50x128xi32, #tpu.memory_space<vmem>> -> memref<1x128xi32, #tpu.memory_space<vmem>>
      %dma_wait3A_653 = tpu.memref_squeeze %dma_wait3A_652 : memref<1x128xi32, #tpu.memory_space<vmem>> -> memref<128xi32, #tpu.memory_space<vmem>>
      %dma_wait3A_654 = arith.constant 0 : i32
      %dma_wait3A_655 = arith.constant 0 : i32
      %dma_wait3A_656 = tpu.memref_slice %arg2[%dma_wait3A_654, %dma_wait3A_655] : memref<100000x128xf32, #tpu.memory_space<hbm>> -> memref<100000x128xf32, #tpu.memory_space<hbm>>
      tpu.wait_indirect_dma semaphore(%arg8 : memref<!tpu.dma_semaphore, #tpu.memory_space<semaphore_mem>>) src(%dma_wait3A_656 : memref<100000x128xf32, #tpu.memory_space<hbm>>) dst(%dma_wait3A_650 : memref<128x128xf32, #tpu.memory_space<vmem>>)
      %mul3A_657 = arith.constant 6400 : i32
      %mul3A_658 = arith.muli %add3A, %mul3A_657 : i32
      %mul3A_659 = arith.constant 128 : i32
      %mul3A_660 = arith.muli %add3A_645, %mul3A_659 : i32
      %add3A_661 = arith.addi %mul3A_658, %mul3A_660 : i32
      %jit3A_662 = arith.constant 4096 : i32
      %div3A_663 = arith.divsi %add3A_661, %jit3A_662 : i32
      %sign3A_664 = arith.constant 0 : i32
      %sign3A_665 = arith.cmpi sgt, %add3A_661, %sign3A_664 : i32
      %sign3A_666 = arith.extui %sign3A_665 : i1 to i32
      %sign3A_667 = arith.constant 0 : i32
      %sign3A_668 = arith.cmpi slt, %add3A_661, %sign3A_667 : i32
      %sign3A_669 = arith.extui %sign3A_668 : i1 to i32
      %sign3A_670 = arith.subi %sign3A_666, %sign3A_669 : i32
      %sign3A_671 = arith.constant 0 : i32
      %sign3A_672 = arith.cmpi sgt, %jit3A_662, %sign3A_671 : i32
      %sign3A_673 = arith.extui %sign3A_672 : i1 to i32
      %sign3A_674 = arith.constant 0 : i32
      %sign3A_675 = arith.cmpi slt, %jit3A_662, %sign3A_674 : i32
      %sign3A_676 = arith.extui %sign3A_675 : i1 to i32
      %sign3A_677 = arith.subi %sign3A_673, %sign3A_676 : i32
      %ne3A_678 = arith.cmpi ne, %sign3A_670, %sign3A_677 : i32
      %rem3A_679 = arith.remsi %add3A_661, %jit3A_662 : i32
      %ne3A_680 = arith.constant 0 : i32
      %ne3A_681 = arith.cmpi ne, %rem3A_679, %ne3A_680 : i32
      %and3A_682 = arith.andi %ne3A_678, %ne3A_681 : i1
      %sub3A_683 = arith.constant 1 : i32
      %sub3A_684 = arith.subi %div3A_663, %sub3A_683 : i32
      %select_n3A_685 = arith.select %and3A_682, %sub3A_684, %div3A_663 : i32
      %jit3A_686 = arith.constant 4096 : i32
      %eq3A_687 = arith.constant 0 : i32
      %eq3A_688 = arith.cmpi eq, %jit3A_686, %eq3A_687 : i32
      %jit3A_689 = arith.constant 1 : i32
      %select_n3A_690 = arith.select %eq3A_688, %jit3A_689, %jit3A_686 : i32
      %rem3A_691 = arith.remsi %add3A_661, %select_n3A_690 : i32
      %ne3A_692 = arith.constant 0 : i32
      %ne3A_693 = arith.cmpi ne, %rem3A_691, %ne3A_692 : i32
      %lt3A_694 = arith.constant 0 : i32
      %lt3A_695 = arith.cmpi slt, %rem3A_691, %lt3A_694 : i32
      %lt3A_696 = arith.constant 0 : i32
      %lt3A_697 = arith.cmpi slt, %select_n3A_690, %lt3A_696 : i32
      %ne3A_698 = arith.xori %lt3A_695, %lt3A_697 : i1
      %and3A_699 = arith.andi %ne3A_698, %ne3A_693 : i1
      %add3A_700 = arith.addi %rem3A_691, %select_n3A_690 : i32
      %select_n3A_701 = arith.select %and3A_699, %add3A_700, %rem3A_691 : i32
      %dma_start3A_702 = arith.constant 1 : i32
      %dma_start3A_703 = arith.constant 0 : i32
      %dma_start3A_704 = arith.constant 0 : i32
      %dma_start3A_705 = tpu.memref_slice %arg6[%dma_start3A_702, %dma_start3A_703, %dma_start3A_704] : memref<7x128x128xf32, #tpu.memory_space<vmem>> -> memref<1x128x128xf32, #tpu.memory_space<vmem>>
      %dma_start3A_706 = tpu.memref_squeeze %dma_start3A_705 : memref<1x128x128xf32, #tpu.memory_space<vmem>> -> memref<128x128xf32, #tpu.memory_space<vmem>>
      %dma_start3A_707 = arith.constant 0 : i32
      %dma_start3A_708 = tpu.memref_slice %arg4[%select_n3A_685, %select_n3A_701, %dma_start3A_707] : memref<50x4096x128xf32, #tpu.memory_space<hbm>> -> memref<1x128x128xf32, #tpu.memory_space<hbm>>
      %dma_start3A_709 = tpu.memref_squeeze %dma_start3A_708 : memref<1x128x128xf32, #tpu.memory_space<hbm>> -> memref<128x128xf32, #tpu.memory_space<hbm>>
      %dma_start3A_710 = arith.constant 0 : i32
      %dma_start3A_711 = tpu.memref_slice %arg4[%select_n3A_685, %select_n3A_701, %dma_start3A_710] : memref<50x4096x128xf32, #tpu.memory_space<hbm>> -> memref<1x128x128xf32, #tpu.memory_space<hbm>>
      %dma_start3A_712 = tpu.memref_squeeze %dma_start3A_711 : memref<1x128x128xf32, #tpu.memory_space<hbm>> -> memref<128x128xf32, #tpu.memory_space<hbm>>
      %dma_start3A_713 = arith.constant 0 : i32
      %dma_start3A_714 = arith.constant 0 : i32
      %dma_start3A_715 = tpu.memref_slice %arg6[%dma_start3A_702, %dma_start3A_713, %dma_start3A_714] : memref<7x128x128xf32, #tpu.memory_space<vmem>> -> memref<1x128x128xf32, #tpu.memory_space<vmem>>
      %dma_start3A_716 = tpu.memref_squeeze %dma_start3A_715 : memref<1x128x128xf32, #tpu.memory_space<vmem>> -> memref<128x128xf32, #tpu.memory_space<vmem>>
      tpu.enqueue_dma source(%dma_start3A_716 : memref<128x128xf32, #tpu.memory_space<vmem>>) target(%dma_start3A_712 : memref<128x128xf32, #tpu.memory_space<hbm>>) target_semaphore(%arg15 : memref<!tpu.dma_semaphore, #tpu.memory_space<semaphore_mem>>)
      %add3A_717 = arith.constant 7 : i32
      %add3A_718 = arith.addi %add3A_645, %add3A_717 : i32
      %lt3A_719 = arith.constant 50 : i32
      %lt3A_720 = arith.cmpi slt, %add3A_718, %lt3A_719 : i32
      %convert_element_type3A_721 = arith.extui %lt3A_720 : i1 to i32
      %cond3A_722 = arith.constant 0 : i32
      %cond3A_723 = arith.cmpi ne, %convert_element_type3A_721, %cond3A_722 : i32
      scf.if %cond3A_723 {
        %mul3A_1124 = arith.constant 6400 : i32
        %mul3A_1125 = arith.muli %add3A, %mul3A_1124 : i32
        %mul3A_1126 = arith.constant 128 : i32
        %mul3A_1127 = arith.muli %add3A_645, %mul3A_1126 : i32
        %add3A_1128 = arith.addi %mul3A_1125, %mul3A_1127 : i32
        %jit3A_1129 = arith.constant 4096 : i32
        %div3A_1130 = arith.divsi %add3A_1128, %jit3A_1129 : i32
        %sign3A_1131 = arith.constant 0 : i32
        %sign3A_1132 = arith.cmpi sgt, %add3A_1128, %sign3A_1131 : i32
        %sign3A_1133 = arith.extui %sign3A_1132 : i1 to i32
        %sign3A_1134 = arith.constant 0 : i32
        %sign3A_1135 = arith.cmpi slt, %add3A_1128, %sign3A_1134 : i32
        %sign3A_1136 = arith.extui %sign3A_1135 : i1 to i32
        %sign3A_1137 = arith.subi %sign3A_1133, %sign3A_1136 : i32
        %sign3A_1138 = arith.constant 0 : i32
        %sign3A_1139 = arith.cmpi sgt, %jit3A_1129, %sign3A_1138 : i32
        %sign3A_1140 = arith.extui %sign3A_1139 : i1 to i32
        %sign3A_1141 = arith.constant 0 : i32
        %sign3A_1142 = arith.cmpi slt, %jit3A_1129, %sign3A_1141 : i32
        %sign3A_1143 = arith.extui %sign3A_1142 : i1 to i32
        %sign3A_1144 = arith.subi %sign3A_1140, %sign3A_1143 : i32
        %ne3A_1145 = arith.cmpi ne, %sign3A_1137, %sign3A_1144 : i32
        %rem3A_1146 = arith.remsi %add3A_1128, %jit3A_1129 : i32
        %ne3A_1147 = arith.constant 0 : i32
        %ne3A_1148 = arith.cmpi ne, %rem3A_1146, %ne3A_1147 : i32
        %and3A_1149 = arith.andi %ne3A_1145, %ne3A_1148 : i1
        %sub3A_1150 = arith.constant 1 : i32
        %sub3A_1151 = arith.subi %div3A_1130, %sub3A_1150 : i32
        %select_n3A_1152 = arith.select %and3A_1149, %sub3A_1151, %div3A_1130 : i32
        %jit3A_1153 = arith.constant 4096 : i32
        %eq3A_1154 = arith.constant 0 : i32
        %eq3A_1155 = arith.cmpi eq, %jit3A_1153, %eq3A_1154 : i32
        %jit3A_1156 = arith.constant 1 : i32
        %select_n3A_1157 = arith.select %eq3A_1155, %jit3A_1156, %jit3A_1153 : i32
        %rem3A_1158 = arith.remsi %add3A_1128, %select_n3A_1157 : i32
        %ne3A_1159 = arith.constant 0 : i32
        %ne3A_1160 = arith.cmpi ne, %rem3A_1158, %ne3A_1159 : i32
        %lt3A_1161 = arith.constant 0 : i32
        %lt3A_1162 = arith.cmpi slt, %rem3A_1158, %lt3A_1161 : i32
        %lt3A_1163 = arith.constant 0 : i32
        %lt3A_1164 = arith.cmpi slt, %select_n3A_1157, %lt3A_1163 : i32
        %ne3A_1165 = arith.xori %lt3A_1162, %lt3A_1164 : i1
        %and3A_1166 = arith.andi %ne3A_1165, %ne3A_1160 : i1
        %add3A_1167 = arith.addi %rem3A_1158, %select_n3A_1157 : i32
        %select_n3A_1168 = arith.select %and3A_1166, %add3A_1167, %rem3A_1158 : i32
        %dma_wait3A_1169 = arith.constant 1 : i32
        %dma_wait3A_1170 = arith.constant 0 : i32
        %dma_wait3A_1171 = arith.constant 0 : i32
        %dma_wait3A_1172 = tpu.memref_slice %arg6[%dma_wait3A_1169, %dma_wait3A_1170, %dma_wait3A_1171] : memref<7x128x128xf32, #tpu.memory_space<vmem>> -> memref<1x128x128xf32, #tpu.memory_space<vmem>>
        %dma_wait3A_1173 = tpu.memref_squeeze %dma_wait3A_1172 : memref<1x128x128xf32, #tpu.memory_space<vmem>> -> memref<128x128xf32, #tpu.memory_space<vmem>>
        %dma_wait3A_1174 = arith.constant 0 : i32
        %dma_wait3A_1175 = tpu.memref_slice %arg4[%select_n3A_1152, %select_n3A_1168, %dma_wait3A_1174] : memref<50x4096x128xf32, #tpu.memory_space<hbm>> -> memref<1x128x128xf32, #tpu.memory_space<hbm>>
        %dma_wait3A_1176 = tpu.memref_squeeze %dma_wait3A_1175 : memref<1x128x128xf32, #tpu.memory_space<hbm>> -> memref<128x128xf32, #tpu.memory_space<hbm>>
        %dma_wait3A_1177 = arith.constant 0 : i32
        %dma_wait3A_1178 = tpu.memref_slice %arg4[%select_n3A_1152, %select_n3A_1168, %dma_wait3A_1177] : memref<50x4096x128xf32, #tpu.memory_space<hbm>> -> memref<1x128x128xf32, #tpu.memory_space<hbm>>
        %dma_wait3A_1179 = tpu.memref_squeeze %dma_wait3A_1178 : memref<1x128x128xf32, #tpu.memory_space<hbm>> -> memref<128x128xf32, #tpu.memory_space<hbm>>
        %dma_wait3A_1180 = arith.constant 0 : i32
        %dma_wait3A_1181 = arith.constant 0 : i32
        %dma_wait3A_1182 = tpu.memref_slice %arg6[%dma_wait3A_1169, %dma_wait3A_1180, %dma_wait3A_1181] : memref<7x128x128xf32, #tpu.memory_space<vmem>> -> memref<1x128x128xf32, #tpu.memory_space<vmem>>
        %dma_wait3A_1183 = tpu.memref_squeeze %dma_wait3A_1182 : memref<1x128x128xf32, #tpu.memory_space<vmem>> -> memref<128x128xf32, #tpu.memory_space<vmem>>
        tpu.wait_dma2 semaphore(%arg15 : memref<!tpu.dma_semaphore, #tpu.memory_space<semaphore_mem>>) src(%dma_wait3A_1183 : memref<128x128xf32, #tpu.memory_space<vmem>>) dst(%dma_wait3A_1179 : memref<128x128xf32, #tpu.memory_space<hbm>>)
        %add3A_1184 = arith.constant 7 : i32
        %add3A_1185 = arith.addi %add3A_645, %add3A_1184 : i32
        %dma_start3A_1186 = arith.constant 1 : i32
        %dma_start3A_1187 = arith.constant 0 : i32
        %dma_start3A_1188 = arith.constant 0 : i32
        %dma_start3A_1189 = tpu.memref_slice %arg6[%dma_start3A_1186, %dma_start3A_1187, %dma_start3A_1188] : memref<7x128x128xf32, #tpu.memory_space<vmem>> -> memref<1x128x128xf32, #tpu.memory_space<vmem>>
        %dma_start3A_1190 = tpu.memref_squeeze %dma_start3A_1189 : memref<1x128x128xf32, #tpu.memory_space<vmem>> -> memref<128x128xf32, #tpu.memory_space<vmem>>
        %dma_start3A_1191 = arith.constant 0 : i32
        %dma_start3A_1192 = tpu.memref_slice %arg5[%add3A_1185, %dma_start3A_1191] : memref<50x128xi32, #tpu.memory_space<vmem>> -> memref<1x128xi32, #tpu.memory_space<vmem>>
        %dma_start3A_1193 = tpu.memref_squeeze %dma_start3A_1192 : memref<1x128xi32, #tpu.memory_space<vmem>> -> memref<128xi32, #tpu.memory_space<vmem>>
        %dma_start3A_1194 = arith.constant 0 : i32
        %dma_start3A_1195 = arith.constant 0 : i32
        %dma_start3A_1196 = tpu.memref_slice %arg2[%dma_start3A_1194, %dma_start3A_1195] : memref<100000x128xf32, #tpu.memory_space<hbm>> -> memref<100000x128xf32, #tpu.memory_space<hbm>>
        tpu.enqueue_indirect_dma source(%dma_start3A_1196 : memref<100000x128xf32, #tpu.memory_space<hbm>>) target(%dma_start3A_1190 : memref<128x128xf32, #tpu.memory_space<vmem>>) offsets(%dma_start3A_1193 : memref<128xi32, #tpu.memory_space<vmem>>) semaphore(%arg8 : memref<!tpu.dma_semaphore, #tpu.memory_space<semaphore_mem>>)
      } else {
      }
      %add3A_724 = arith.constant 2 : i32
      %add3A_725 = arith.addi %add3A_565, %add3A_724 : i32
      %dma_wait3A_726 = arith.constant 2 : i32
      %dma_wait3A_727 = arith.constant 0 : i32
      %dma_wait3A_728 = arith.constant 0 : i32
      %dma_wait3A_729 = tpu.memref_slice %arg6[%dma_wait3A_726, %dma_wait3A_727, %dma_wait3A_728] : memref<7x128x128xf32, #tpu.memory_space<vmem>> -> memref<1x128x128xf32, #tpu.memory_space<vmem>>
      %dma_wait3A_730 = tpu.memref_squeeze %dma_wait3A_729 : memref<1x128x128xf32, #tpu.memory_space<vmem>> -> memref<128x128xf32, #tpu.memory_space<vmem>>
      %dma_wait3A_731 = arith.constant 0 : i32
      %dma_wait3A_732 = tpu.memref_slice %arg5[%add3A_725, %dma_wait3A_731] : memref<50x128xi32, #tpu.memory_space<vmem>> -> memref<1x128xi32, #tpu.memory_space<vmem>>
      %dma_wait3A_733 = tpu.memref_squeeze %dma_wait3A_732 : memref<1x128xi32, #tpu.memory_space<vmem>> -> memref<128xi32, #tpu.memory_space<vmem>>
      %dma_wait3A_734 = arith.constant 0 : i32
      %dma_wait3A_735 = arith.constant 0 : i32
      %dma_wait3A_736 = tpu.memref_slice %arg2[%dma_wait3A_734, %dma_wait3A_735] : memref<100000x128xf32, #tpu.memory_space<hbm>> -> memref<100000x128xf32, #tpu.memory_space<hbm>>
      tpu.wait_indirect_dma semaphore(%arg9 : memref<!tpu.dma_semaphore, #tpu.memory_space<semaphore_mem>>) src(%dma_wait3A_736 : memref<100000x128xf32, #tpu.memory_space<hbm>>) dst(%dma_wait3A_730 : memref<128x128xf32, #tpu.memory_space<vmem>>)
      %mul3A_737 = arith.constant 6400 : i32
      %mul3A_738 = arith.muli %add3A, %mul3A_737 : i32
      %mul3A_739 = arith.constant 128 : i32
      %mul3A_740 = arith.muli %add3A_725, %mul3A_739 : i32
      %add3A_741 = arith.addi %mul3A_738, %mul3A_740 : i32
      %jit3A_742 = arith.constant 4096 : i32
      %div3A_743 = arith.divsi %add3A_741, %jit3A_742 : i32
      %sign3A_744 = arith.constant 0 : i32
      %sign3A_745 = arith.cmpi sgt, %add3A_741, %sign3A_744 : i32
      %sign3A_746 = arith.extui %sign3A_745 : i1 to i32
      %sign3A_747 = arith.constant 0 : i32
      %sign3A_748 = arith.cmpi slt, %add3A_741, %sign3A_747 : i32
      %sign3A_749 = arith.extui %sign3A_748 : i1 to i32
      %sign3A_750 = arith.subi %sign3A_746, %sign3A_749 : i32
      %sign3A_751 = arith.constant 0 : i32
      %sign3A_752 = arith.cmpi sgt, %jit3A_742, %sign3A_751 : i32
      %sign3A_753 = arith.extui %sign3A_752 : i1 to i32
      %sign3A_754 = arith.constant 0 : i32
      %sign3A_755 = arith.cmpi slt, %jit3A_742, %sign3A_754 : i32
      %sign3A_756 = arith.extui %sign3A_755 : i1 to i32
      %sign3A_757 = arith.subi %sign3A_753, %sign3A_756 : i32
      %ne3A_758 = arith.cmpi ne, %sign3A_750, %sign3A_757 : i32
      %rem3A_759 = arith.remsi %add3A_741, %jit3A_742 : i32
      %ne3A_760 = arith.constant 0 : i32
      %ne3A_761 = arith.cmpi ne, %rem3A_759, %ne3A_760 : i32
      %and3A_762 = arith.andi %ne3A_758, %ne3A_761 : i1
      %sub3A_763 = arith.constant 1 : i32
      %sub3A_764 = arith.subi %div3A_743, %sub3A_763 : i32
      %select_n3A_765 = arith.select %and3A_762, %sub3A_764, %div3A_743 : i32
      %jit3A_766 = arith.constant 4096 : i32
      %eq3A_767 = arith.constant 0 : i32
      %eq3A_768 = arith.cmpi eq, %jit3A_766, %eq3A_767 : i32
      %jit3A_769 = arith.constant 1 : i32
      %select_n3A_770 = arith.select %eq3A_768, %jit3A_769, %jit3A_766 : i32
      %rem3A_771 = arith.remsi %add3A_741, %select_n3A_770 : i32
      %ne3A_772 = arith.constant 0 : i32
      %ne3A_773 = arith.cmpi ne, %rem3A_771, %ne3A_772 : i32
      %lt3A_774 = arith.constant 0 : i32
      %lt3A_775 = arith.cmpi slt, %rem3A_771, %lt3A_774 : i32
      %lt3A_776 = arith.constant 0 : i32
      %lt3A_777 = arith.cmpi slt, %select_n3A_770, %lt3A_776 : i32
      %ne3A_778 = arith.xori %lt3A_775, %lt3A_777 : i1
      %and3A_779 = arith.andi %ne3A_778, %ne3A_773 : i1
      %add3A_780 = arith.addi %rem3A_771, %select_n3A_770 : i32
      %select_n3A_781 = arith.select %and3A_779, %add3A_780, %rem3A_771 : i32
      %dma_start3A_782 = arith.constant 2 : i32
      %dma_start3A_783 = arith.constant 0 : i32
      %dma_start3A_784 = arith.constant 0 : i32
      %dma_start3A_785 = tpu.memref_slice %arg6[%dma_start3A_782, %dma_start3A_783, %dma_start3A_784] : memref<7x128x128xf32, #tpu.memory_space<vmem>> -> memref<1x128x128xf32, #tpu.memory_space<vmem>>
      %dma_start3A_786 = tpu.memref_squeeze %dma_start3A_785 : memref<1x128x128xf32, #tpu.memory_space<vmem>> -> memref<128x128xf32, #tpu.memory_space<vmem>>
      %dma_start3A_787 = arith.constant 0 : i32
      %dma_start3A_788 = tpu.memref_slice %arg4[%select_n3A_765, %select_n3A_781, %dma_start3A_787] : memref<50x4096x128xf32, #tpu.memory_space<hbm>> -> memref<1x128x128xf32, #tpu.memory_space<hbm>>
      %dma_start3A_789 = tpu.memref_squeeze %dma_start3A_788 : memref<1x128x128xf32, #tpu.memory_space<hbm>> -> memref<128x128xf32, #tpu.memory_space<hbm>>
      %dma_start3A_790 = arith.constant 0 : i32
      %dma_start3A_791 = tpu.memref_slice %arg4[%select_n3A_765, %select_n3A_781, %dma_start3A_790] : memref<50x4096x128xf32, #tpu.memory_space<hbm>> -> memref<1x128x128xf32, #tpu.memory_space<hbm>>
      %dma_start3A_792 = tpu.memref_squeeze %dma_start3A_791 : memref<1x128x128xf32, #tpu.memory_space<hbm>> -> memref<128x128xf32, #tpu.memory_space<hbm>>
      %dma_start3A_793 = arith.constant 0 : i32
      %dma_start3A_794 = arith.constant 0 : i32
      %dma_start3A_795 = tpu.memref_slice %arg6[%dma_start3A_782, %dma_start3A_793, %dma_start3A_794] : memref<7x128x128xf32, #tpu.memory_space<vmem>> -> memref<1x128x128xf32, #tpu.memory_space<vmem>>
      %dma_start3A_796 = tpu.memref_squeeze %dma_start3A_795 : memref<1x128x128xf32, #tpu.memory_space<vmem>> -> memref<128x128xf32, #tpu.memory_space<vmem>>
      tpu.enqueue_dma source(%dma_start3A_796 : memref<128x128xf32, #tpu.memory_space<vmem>>) target(%dma_start3A_792 : memref<128x128xf32, #tpu.memory_space<hbm>>) target_semaphore(%arg16 : memref<!tpu.dma_semaphore, #tpu.memory_space<semaphore_mem>>)
      %add3A_797 = arith.constant 7 : i32
      %add3A_798 = arith.addi %add3A_725, %add3A_797 : i32
      %lt3A_799 = arith.constant 50 : i32
      %lt3A_800 = arith.cmpi slt, %add3A_798, %lt3A_799 : i32
      %convert_element_type3A_801 = arith.extui %lt3A_800 : i1 to i32
      %cond3A_802 = arith.constant 0 : i32
      %cond3A_803 = arith.cmpi ne, %convert_element_type3A_801, %cond3A_802 : i32
      scf.if %cond3A_803 {
        %mul3A_1124 = arith.constant 6400 : i32
        %mul3A_1125 = arith.muli %add3A, %mul3A_1124 : i32
        %mul3A_1126 = arith.constant 128 : i32
        %mul3A_1127 = arith.muli %add3A_725, %mul3A_1126 : i32
        %add3A_1128 = arith.addi %mul3A_1125, %mul3A_1127 : i32
        %jit3A_1129 = arith.constant 4096 : i32
        %div3A_1130 = arith.divsi %add3A_1128, %jit3A_1129 : i32
        %sign3A_1131 = arith.constant 0 : i32
        %sign3A_1132 = arith.cmpi sgt, %add3A_1128, %sign3A_1131 : i32
        %sign3A_1133 = arith.extui %sign3A_1132 : i1 to i32
        %sign3A_1134 = arith.constant 0 : i32
        %sign3A_1135 = arith.cmpi slt, %add3A_1128, %sign3A_1134 : i32
        %sign3A_1136 = arith.extui %sign3A_1135 : i1 to i32
        %sign3A_1137 = arith.subi %sign3A_1133, %sign3A_1136 : i32
        %sign3A_1138 = arith.constant 0 : i32
        %sign3A_1139 = arith.cmpi sgt, %jit3A_1129, %sign3A_1138 : i32
        %sign3A_1140 = arith.extui %sign3A_1139 : i1 to i32
        %sign3A_1141 = arith.constant 0 : i32
        %sign3A_1142 = arith.cmpi slt, %jit3A_1129, %sign3A_1141 : i32
        %sign3A_1143 = arith.extui %sign3A_1142 : i1 to i32
        %sign3A_1144 = arith.subi %sign3A_1140, %sign3A_1143 : i32
        %ne3A_1145 = arith.cmpi ne, %sign3A_1137, %sign3A_1144 : i32
        %rem3A_1146 = arith.remsi %add3A_1128, %jit3A_1129 : i32
        %ne3A_1147 = arith.constant 0 : i32
        %ne3A_1148 = arith.cmpi ne, %rem3A_1146, %ne3A_1147 : i32
        %and3A_1149 = arith.andi %ne3A_1145, %ne3A_1148 : i1
        %sub3A_1150 = arith.constant 1 : i32
        %sub3A_1151 = arith.subi %div3A_1130, %sub3A_1150 : i32
        %select_n3A_1152 = arith.select %and3A_1149, %sub3A_1151, %div3A_1130 : i32
        %jit3A_1153 = arith.constant 4096 : i32
        %eq3A_1154 = arith.constant 0 : i32
        %eq3A_1155 = arith.cmpi eq, %jit3A_1153, %eq3A_1154 : i32
        %jit3A_1156 = arith.constant 1 : i32
        %select_n3A_1157 = arith.select %eq3A_1155, %jit3A_1156, %jit3A_1153 : i32
        %rem3A_1158 = arith.remsi %add3A_1128, %select_n3A_1157 : i32
        %ne3A_1159 = arith.constant 0 : i32
        %ne3A_1160 = arith.cmpi ne, %rem3A_1158, %ne3A_1159 : i32
        %lt3A_1161 = arith.constant 0 : i32
        %lt3A_1162 = arith.cmpi slt, %rem3A_1158, %lt3A_1161 : i32
        %lt3A_1163 = arith.constant 0 : i32
        %lt3A_1164 = arith.cmpi slt, %select_n3A_1157, %lt3A_1163 : i32
        %ne3A_1165 = arith.xori %lt3A_1162, %lt3A_1164 : i1
        %and3A_1166 = arith.andi %ne3A_1165, %ne3A_1160 : i1
        %add3A_1167 = arith.addi %rem3A_1158, %select_n3A_1157 : i32
        %select_n3A_1168 = arith.select %and3A_1166, %add3A_1167, %rem3A_1158 : i32
        %dma_wait3A_1169 = arith.constant 2 : i32
        %dma_wait3A_1170 = arith.constant 0 : i32
        %dma_wait3A_1171 = arith.constant 0 : i32
        %dma_wait3A_1172 = tpu.memref_slice %arg6[%dma_wait3A_1169, %dma_wait3A_1170, %dma_wait3A_1171] : memref<7x128x128xf32, #tpu.memory_space<vmem>> -> memref<1x128x128xf32, #tpu.memory_space<vmem>>
        %dma_wait3A_1173 = tpu.memref_squeeze %dma_wait3A_1172 : memref<1x128x128xf32, #tpu.memory_space<vmem>> -> memref<128x128xf32, #tpu.memory_space<vmem>>
        %dma_wait3A_1174 = arith.constant 0 : i32
        %dma_wait3A_1175 = tpu.memref_slice %arg4[%select_n3A_1152, %select_n3A_1168, %dma_wait3A_1174] : memref<50x4096x128xf32, #tpu.memory_space<hbm>> -> memref<1x128x128xf32, #tpu.memory_space<hbm>>
        %dma_wait3A_1176 = tpu.memref_squeeze %dma_wait3A_1175 : memref<1x128x128xf32, #tpu.memory_space<hbm>> -> memref<128x128xf32, #tpu.memory_space<hbm>>
        %dma_wait3A_1177 = arith.constant 0 : i32
        %dma_wait3A_1178 = tpu.memref_slice %arg4[%select_n3A_1152, %select_n3A_1168, %dma_wait3A_1177] : memref<50x4096x128xf32, #tpu.memory_space<hbm>> -> memref<1x128x128xf32, #tpu.memory_space<hbm>>
        %dma_wait3A_1179 = tpu.memref_squeeze %dma_wait3A_1178 : memref<1x128x128xf32, #tpu.memory_space<hbm>> -> memref<128x128xf32, #tpu.memory_space<hbm>>
        %dma_wait3A_1180 = arith.constant 0 : i32
        %dma_wait3A_1181 = arith.constant 0 : i32
        %dma_wait3A_1182 = tpu.memref_slice %arg6[%dma_wait3A_1169, %dma_wait3A_1180, %dma_wait3A_1181] : memref<7x128x128xf32, #tpu.memory_space<vmem>> -> memref<1x128x128xf32, #tpu.memory_space<vmem>>
        %dma_wait3A_1183 = tpu.memref_squeeze %dma_wait3A_1182 : memref<1x128x128xf32, #tpu.memory_space<vmem>> -> memref<128x128xf32, #tpu.memory_space<vmem>>
        tpu.wait_dma2 semaphore(%arg16 : memref<!tpu.dma_semaphore, #tpu.memory_space<semaphore_mem>>) src(%dma_wait3A_1183 : memref<128x128xf32, #tpu.memory_space<vmem>>) dst(%dma_wait3A_1179 : memref<128x128xf32, #tpu.memory_space<hbm>>)
        %add3A_1184 = arith.constant 7 : i32
        %add3A_1185 = arith.addi %add3A_725, %add3A_1184 : i32
        %dma_start3A_1186 = arith.constant 2 : i32
        %dma_start3A_1187 = arith.constant 0 : i32
        %dma_start3A_1188 = arith.constant 0 : i32
        %dma_start3A_1189 = tpu.memref_slice %arg6[%dma_start3A_1186, %dma_start3A_1187, %dma_start3A_1188] : memref<7x128x128xf32, #tpu.memory_space<vmem>> -> memref<1x128x128xf32, #tpu.memory_space<vmem>>
        %dma_start3A_1190 = tpu.memref_squeeze %dma_start3A_1189 : memref<1x128x128xf32, #tpu.memory_space<vmem>> -> memref<128x128xf32, #tpu.memory_space<vmem>>
        %dma_start3A_1191 = arith.constant 0 : i32
        %dma_start3A_1192 = tpu.memref_slice %arg5[%add3A_1185, %dma_start3A_1191] : memref<50x128xi32, #tpu.memory_space<vmem>> -> memref<1x128xi32, #tpu.memory_space<vmem>>
        %dma_start3A_1193 = tpu.memref_squeeze %dma_start3A_1192 : memref<1x128xi32, #tpu.memory_space<vmem>> -> memref<128xi32, #tpu.memory_space<vmem>>
        %dma_start3A_1194 = arith.constant 0 : i32
        %dma_start3A_1195 = arith.constant 0 : i32
        %dma_start3A_1196 = tpu.memref_slice %arg2[%dma_start3A_1194, %dma_start3A_1195] : memref<100000x128xf32, #tpu.memory_space<hbm>> -> memref<100000x128xf32, #tpu.memory_space<hbm>>
        tpu.enqueue_indirect_dma source(%dma_start3A_1196 : memref<100000x128xf32, #tpu.memory_space<hbm>>) target(%dma_start3A_1190 : memref<128x128xf32, #tpu.memory_space<vmem>>) offsets(%dma_start3A_1193 : memref<128xi32, #tpu.memory_space<vmem>>) semaphore(%arg9 : memref<!tpu.dma_semaphore, #tpu.memory_space<semaphore_mem>>)
      } else {
      }
      %add3A_804 = arith.constant 3 : i32
      %add3A_805 = arith.addi %add3A_565, %add3A_804 : i32
      %dma_wait3A_806 = arith.constant 3 : i32
      %dma_wait3A_807 = arith.constant 0 : i32
      %dma_wait3A_808 = arith.constant 0 : i32
      %dma_wait3A_809 = tpu.memref_slice %arg6[%dma_wait3A_806, %dma_wait3A_807, %dma_wait3A_808] : memref<7x128x128xf32, #tpu.memory_space<vmem>> -> memref<1x128x128xf32, #tpu.memory_space<vmem>>
      %dma_wait3A_810 = tpu.memref_squeeze %dma_wait3A_809 : memref<1x128x128xf32, #tpu.memory_space<vmem>> -> memref<128x128xf32, #tpu.memory_space<vmem>>
      %dma_wait3A_811 = arith.constant 0 : i32
      %dma_wait3A_812 = tpu.memref_slice %arg5[%add3A_805, %dma_wait3A_811] : memref<50x128xi32, #tpu.memory_space<vmem>> -> memref<1x128xi32, #tpu.memory_space<vmem>>
      %dma_wait3A_813 = tpu.memref_squeeze %dma_wait3A_812 : memref<1x128xi32, #tpu.memory_space<vmem>> -> memref<128xi32, #tpu.memory_space<vmem>>
      %dma_wait3A_814 = arith.constant 0 : i32
      %dma_wait3A_815 = arith.constant 0 : i32
      %dma_wait3A_816 = tpu.memref_slice %arg2[%dma_wait3A_814, %dma_wait3A_815] : memref<100000x128xf32, #tpu.memory_space<hbm>> -> memref<100000x128xf32, #tpu.memory_space<hbm>>
      tpu.wait_indirect_dma semaphore(%arg10 : memref<!tpu.dma_semaphore, #tpu.memory_space<semaphore_mem>>) src(%dma_wait3A_816 : memref<100000x128xf32, #tpu.memory_space<hbm>>) dst(%dma_wait3A_810 : memref<128x128xf32, #tpu.memory_space<vmem>>)
      %mul3A_817 = arith.constant 6400 : i32
      %mul3A_818 = arith.muli %add3A, %mul3A_817 : i32
      %mul3A_819 = arith.constant 128 : i32
      %mul3A_820 = arith.muli %add3A_805, %mul3A_819 : i32
      %add3A_821 = arith.addi %mul3A_818, %mul3A_820 : i32
      %jit3A_822 = arith.constant 4096 : i32
      %div3A_823 = arith.divsi %add3A_821, %jit3A_822 : i32
      %sign3A_824 = arith.constant 0 : i32
      %sign3A_825 = arith.cmpi sgt, %add3A_821, %sign3A_824 : i32
      %sign3A_826 = arith.extui %sign3A_825 : i1 to i32
      %sign3A_827 = arith.constant 0 : i32
      %sign3A_828 = arith.cmpi slt, %add3A_821, %sign3A_827 : i32
      %sign3A_829 = arith.extui %sign3A_828 : i1 to i32
      %sign3A_830 = arith.subi %sign3A_826, %sign3A_829 : i32
      %sign3A_831 = arith.constant 0 : i32
      %sign3A_832 = arith.cmpi sgt, %jit3A_822, %sign3A_831 : i32
      %sign3A_833 = arith.extui %sign3A_832 : i1 to i32
      %sign3A_834 = arith.constant 0 : i32
      %sign3A_835 = arith.cmpi slt, %jit3A_822, %sign3A_834 : i32
      %sign3A_836 = arith.extui %sign3A_835 : i1 to i32
      %sign3A_837 = arith.subi %sign3A_833, %sign3A_836 : i32
      %ne3A_838 = arith.cmpi ne, %sign3A_830, %sign3A_837 : i32
      %rem3A_839 = arith.remsi %add3A_821, %jit3A_822 : i32
      %ne3A_840 = arith.constant 0 : i32
      %ne3A_841 = arith.cmpi ne, %rem3A_839, %ne3A_840 : i32
      %and3A_842 = arith.andi %ne3A_838, %ne3A_841 : i1
      %sub3A_843 = arith.constant 1 : i32
      %sub3A_844 = arith.subi %div3A_823, %sub3A_843 : i32
      %select_n3A_845 = arith.select %and3A_842, %sub3A_844, %div3A_823 : i32
      %jit3A_846 = arith.constant 4096 : i32
      %eq3A_847 = arith.constant 0 : i32
      %eq3A_848 = arith.cmpi eq, %jit3A_846, %eq3A_847 : i32
      %jit3A_849 = arith.constant 1 : i32
      %select_n3A_850 = arith.select %eq3A_848, %jit3A_849, %jit3A_846 : i32
      %rem3A_851 = arith.remsi %add3A_821, %select_n3A_850 : i32
      %ne3A_852 = arith.constant 0 : i32
      %ne3A_853 = arith.cmpi ne, %rem3A_851, %ne3A_852 : i32
      %lt3A_854 = arith.constant 0 : i32
      %lt3A_855 = arith.cmpi slt, %rem3A_851, %lt3A_854 : i32
      %lt3A_856 = arith.constant 0 : i32
      %lt3A_857 = arith.cmpi slt, %select_n3A_850, %lt3A_856 : i32
      %ne3A_858 = arith.xori %lt3A_855, %lt3A_857 : i1
      %and3A_859 = arith.andi %ne3A_858, %ne3A_853 : i1
      %add3A_860 = arith.addi %rem3A_851, %select_n3A_850 : i32
      %select_n3A_861 = arith.select %and3A_859, %add3A_860, %rem3A_851 : i32
      %dma_start3A_862 = arith.constant 3 : i32
      %dma_start3A_863 = arith.constant 0 : i32
      %dma_start3A_864 = arith.constant 0 : i32
      %dma_start3A_865 = tpu.memref_slice %arg6[%dma_start3A_862, %dma_start3A_863, %dma_start3A_864] : memref<7x128x128xf32, #tpu.memory_space<vmem>> -> memref<1x128x128xf32, #tpu.memory_space<vmem>>
      %dma_start3A_866 = tpu.memref_squeeze %dma_start3A_865 : memref<1x128x128xf32, #tpu.memory_space<vmem>> -> memref<128x128xf32, #tpu.memory_space<vmem>>
      %dma_start3A_867 = arith.constant 0 : i32
      %dma_start3A_868 = tpu.memref_slice %arg4[%select_n3A_845, %select_n3A_861, %dma_start3A_867] : memref<50x4096x128xf32, #tpu.memory_space<hbm>> -> memref<1x128x128xf32, #tpu.memory_space<hbm>>
      %dma_start3A_869 = tpu.memref_squeeze %dma_start3A_868 : memref<1x128x128xf32, #tpu.memory_space<hbm>> -> memref<128x128xf32, #tpu.memory_space<hbm>>
      %dma_start3A_870 = arith.constant 0 : i32
      %dma_start3A_871 = tpu.memref_slice %arg4[%select_n3A_845, %select_n3A_861, %dma_start3A_870] : memref<50x4096x128xf32, #tpu.memory_space<hbm>> -> memref<1x128x128xf32, #tpu.memory_space<hbm>>
      %dma_start3A_872 = tpu.memref_squeeze %dma_start3A_871 : memref<1x128x128xf32, #tpu.memory_space<hbm>> -> memref<128x128xf32, #tpu.memory_space<hbm>>
      %dma_start3A_873 = arith.constant 0 : i32
      %dma_start3A_874 = arith.constant 0 : i32
      %dma_start3A_875 = tpu.memref_slice %arg6[%dma_start3A_862, %dma_start3A_873, %dma_start3A_874] : memref<7x128x128xf32, #tpu.memory_space<vmem>> -> memref<1x128x128xf32, #tpu.memory_space<vmem>>
      %dma_start3A_876 = tpu.memref_squeeze %dma_start3A_875 : memref<1x128x128xf32, #tpu.memory_space<vmem>> -> memref<128x128xf32, #tpu.memory_space<vmem>>
      tpu.enqueue_dma source(%dma_start3A_876 : memref<128x128xf32, #tpu.memory_space<vmem>>) target(%dma_start3A_872 : memref<128x128xf32, #tpu.memory_space<hbm>>) target_semaphore(%arg17 : memref<!tpu.dma_semaphore, #tpu.memory_space<semaphore_mem>>)
      %add3A_877 = arith.constant 7 : i32
      %add3A_878 = arith.addi %add3A_805, %add3A_877 : i32
      %lt3A_879 = arith.constant 50 : i32
      %lt3A_880 = arith.cmpi slt, %add3A_878, %lt3A_879 : i32
      %convert_element_type3A_881 = arith.extui %lt3A_880 : i1 to i32
      %cond3A_882 = arith.constant 0 : i32
      %cond3A_883 = arith.cmpi ne, %convert_element_type3A_881, %cond3A_882 : i32
      scf.if %cond3A_883 {
        %mul3A_1124 = arith.constant 6400 : i32
        %mul3A_1125 = arith.muli %add3A, %mul3A_1124 : i32
        %mul3A_1126 = arith.constant 128 : i32
        %mul3A_1127 = arith.muli %add3A_805, %mul3A_1126 : i32
        %add3A_1128 = arith.addi %mul3A_1125, %mul3A_1127 : i32
        %jit3A_1129 = arith.constant 4096 : i32
        %div3A_1130 = arith.divsi %add3A_1128, %jit3A_1129 : i32
        %sign3A_1131 = arith.constant 0 : i32
        %sign3A_1132 = arith.cmpi sgt, %add3A_1128, %sign3A_1131 : i32
        %sign3A_1133 = arith.extui %sign3A_1132 : i1 to i32
        %sign3A_1134 = arith.constant 0 : i32
        %sign3A_1135 = arith.cmpi slt, %add3A_1128, %sign3A_1134 : i32
        %sign3A_1136 = arith.extui %sign3A_1135 : i1 to i32
        %sign3A_1137 = arith.subi %sign3A_1133, %sign3A_1136 : i32
        %sign3A_1138 = arith.constant 0 : i32
        %sign3A_1139 = arith.cmpi sgt, %jit3A_1129, %sign3A_1138 : i32
        %sign3A_1140 = arith.extui %sign3A_1139 : i1 to i32
        %sign3A_1141 = arith.constant 0 : i32
        %sign3A_1142 = arith.cmpi slt, %jit3A_1129, %sign3A_1141 : i32
        %sign3A_1143 = arith.extui %sign3A_1142 : i1 to i32
        %sign3A_1144 = arith.subi %sign3A_1140, %sign3A_1143 : i32
        %ne3A_1145 = arith.cmpi ne, %sign3A_1137, %sign3A_1144 : i32
        %rem3A_1146 = arith.remsi %add3A_1128, %jit3A_1129 : i32
        %ne3A_1147 = arith.constant 0 : i32
        %ne3A_1148 = arith.cmpi ne, %rem3A_1146, %ne3A_1147 : i32
        %and3A_1149 = arith.andi %ne3A_1145, %ne3A_1148 : i1
        %sub3A_1150 = arith.constant 1 : i32
        %sub3A_1151 = arith.subi %div3A_1130, %sub3A_1150 : i32
        %select_n3A_1152 = arith.select %and3A_1149, %sub3A_1151, %div3A_1130 : i32
        %jit3A_1153 = arith.constant 4096 : i32
        %eq3A_1154 = arith.constant 0 : i32
        %eq3A_1155 = arith.cmpi eq, %jit3A_1153, %eq3A_1154 : i32
        %jit3A_1156 = arith.constant 1 : i32
        %select_n3A_1157 = arith.select %eq3A_1155, %jit3A_1156, %jit3A_1153 : i32
        %rem3A_1158 = arith.remsi %add3A_1128, %select_n3A_1157 : i32
        %ne3A_1159 = arith.constant 0 : i32
        %ne3A_1160 = arith.cmpi ne, %rem3A_1158, %ne3A_1159 : i32
        %lt3A_1161 = arith.constant 0 : i32
        %lt3A_1162 = arith.cmpi slt, %rem3A_1158, %lt3A_1161 : i32
        %lt3A_1163 = arith.constant 0 : i32
        %lt3A_1164 = arith.cmpi slt, %select_n3A_1157, %lt3A_1163 : i32
        %ne3A_1165 = arith.xori %lt3A_1162, %lt3A_1164 : i1
        %and3A_1166 = arith.andi %ne3A_1165, %ne3A_1160 : i1
        %add3A_1167 = arith.addi %rem3A_1158, %select_n3A_1157 : i32
        %select_n3A_1168 = arith.select %and3A_1166, %add3A_1167, %rem3A_1158 : i32
        %dma_wait3A_1169 = arith.constant 3 : i32
        %dma_wait3A_1170 = arith.constant 0 : i32
        %dma_wait3A_1171 = arith.constant 0 : i32
        %dma_wait3A_1172 = tpu.memref_slice %arg6[%dma_wait3A_1169, %dma_wait3A_1170, %dma_wait3A_1171] : memref<7x128x128xf32, #tpu.memory_space<vmem>> -> memref<1x128x128xf32, #tpu.memory_space<vmem>>
        %dma_wait3A_1173 = tpu.memref_squeeze %dma_wait3A_1172 : memref<1x128x128xf32, #tpu.memory_space<vmem>> -> memref<128x128xf32, #tpu.memory_space<vmem>>
        %dma_wait3A_1174 = arith.constant 0 : i32
        %dma_wait3A_1175 = tpu.memref_slice %arg4[%select_n3A_1152, %select_n3A_1168, %dma_wait3A_1174] : memref<50x4096x128xf32, #tpu.memory_space<hbm>> -> memref<1x128x128xf32, #tpu.memory_space<hbm>>
        %dma_wait3A_1176 = tpu.memref_squeeze %dma_wait3A_1175 : memref<1x128x128xf32, #tpu.memory_space<hbm>> -> memref<128x128xf32, #tpu.memory_space<hbm>>
        %dma_wait3A_1177 = arith.constant 0 : i32
        %dma_wait3A_1178 = tpu.memref_slice %arg4[%select_n3A_1152, %select_n3A_1168, %dma_wait3A_1177] : memref<50x4096x128xf32, #tpu.memory_space<hbm>> -> memref<1x128x128xf32, #tpu.memory_space<hbm>>
        %dma_wait3A_1179 = tpu.memref_squeeze %dma_wait3A_1178 : memref<1x128x128xf32, #tpu.memory_space<hbm>> -> memref<128x128xf32, #tpu.memory_space<hbm>>
        %dma_wait3A_1180 = arith.constant 0 : i32
        %dma_wait3A_1181 = arith.constant 0 : i32
        %dma_wait3A_1182 = tpu.memref_slice %arg6[%dma_wait3A_1169, %dma_wait3A_1180, %dma_wait3A_1181] : memref<7x128x128xf32, #tpu.memory_space<vmem>> -> memref<1x128x128xf32, #tpu.memory_space<vmem>>
        %dma_wait3A_1183 = tpu.memref_squeeze %dma_wait3A_1182 : memref<1x128x128xf32, #tpu.memory_space<vmem>> -> memref<128x128xf32, #tpu.memory_space<vmem>>
        tpu.wait_dma2 semaphore(%arg17 : memref<!tpu.dma_semaphore, #tpu.memory_space<semaphore_mem>>) src(%dma_wait3A_1183 : memref<128x128xf32, #tpu.memory_space<vmem>>) dst(%dma_wait3A_1179 : memref<128x128xf32, #tpu.memory_space<hbm>>)
        %add3A_1184 = arith.constant 7 : i32
        %add3A_1185 = arith.addi %add3A_805, %add3A_1184 : i32
        %dma_start3A_1186 = arith.constant 3 : i32
        %dma_start3A_1187 = arith.constant 0 : i32
        %dma_start3A_1188 = arith.constant 0 : i32
        %dma_start3A_1189 = tpu.memref_slice %arg6[%dma_start3A_1186, %dma_start3A_1187, %dma_start3A_1188] : memref<7x128x128xf32, #tpu.memory_space<vmem>> -> memref<1x128x128xf32, #tpu.memory_space<vmem>>
        %dma_start3A_1190 = tpu.memref_squeeze %dma_start3A_1189 : memref<1x128x128xf32, #tpu.memory_space<vmem>> -> memref<128x128xf32, #tpu.memory_space<vmem>>
        %dma_start3A_1191 = arith.constant 0 : i32
        %dma_start3A_1192 = tpu.memref_slice %arg5[%add3A_1185, %dma_start3A_1191] : memref<50x128xi32, #tpu.memory_space<vmem>> -> memref<1x128xi32, #tpu.memory_space<vmem>>
        %dma_start3A_1193 = tpu.memref_squeeze %dma_start3A_1192 : memref<1x128xi32, #tpu.memory_space<vmem>> -> memref<128xi32, #tpu.memory_space<vmem>>
        %dma_start3A_1194 = arith.constant 0 : i32
        %dma_start3A_1195 = arith.constant 0 : i32
        %dma_start3A_1196 = tpu.memref_slice %arg2[%dma_start3A_1194, %dma_start3A_1195] : memref<100000x128xf32, #tpu.memory_space<hbm>> -> memref<100000x128xf32, #tpu.memory_space<hbm>>
        tpu.enqueue_indirect_dma source(%dma_start3A_1196 : memref<100000x128xf32, #tpu.memory_space<hbm>>) target(%dma_start3A_1190 : memref<128x128xf32, #tpu.memory_space<vmem>>) offsets(%dma_start3A_1193 : memref<128xi32, #tpu.memory_space<vmem>>) semaphore(%arg10 : memref<!tpu.dma_semaphore, #tpu.memory_space<semaphore_mem>>)
      } else {
      }
      %add3A_884 = arith.constant 4 : i32
      %add3A_885 = arith.addi %add3A_565, %add3A_884 : i32
      %dma_wait3A_886 = arith.constant 4 : i32
      %dma_wait3A_887 = arith.constant 0 : i32
      %dma_wait3A_888 = arith.constant 0 : i32
      %dma_wait3A_889 = tpu.memref_slice %arg6[%dma_wait3A_886, %dma_wait3A_887, %dma_wait3A_888] : memref<7x128x128xf32, #tpu.memory_space<vmem>> -> memref<1x128x128xf32, #tpu.memory_space<vmem>>
      %dma_wait3A_890 = tpu.memref_squeeze %dma_wait3A_889 : memref<1x128x128xf32, #tpu.memory_space<vmem>> -> memref<128x128xf32, #tpu.memory_space<vmem>>
      %dma_wait3A_891 = arith.constant 0 : i32
      %dma_wait3A_892 = tpu.memref_slice %arg5[%add3A_885, %dma_wait3A_891] : memref<50x128xi32, #tpu.memory_space<vmem>> -> memref<1x128xi32, #tpu.memory_space<vmem>>
      %dma_wait3A_893 = tpu.memref_squeeze %dma_wait3A_892 : memref<1x128xi32, #tpu.memory_space<vmem>> -> memref<128xi32, #tpu.memory_space<vmem>>
      %dma_wait3A_894 = arith.constant 0 : i32
      %dma_wait3A_895 = arith.constant 0 : i32
      %dma_wait3A_896 = tpu.memref_slice %arg2[%dma_wait3A_894, %dma_wait3A_895] : memref<100000x128xf32, #tpu.memory_space<hbm>> -> memref<100000x128xf32, #tpu.memory_space<hbm>>
      tpu.wait_indirect_dma semaphore(%arg11 : memref<!tpu.dma_semaphore, #tpu.memory_space<semaphore_mem>>) src(%dma_wait3A_896 : memref<100000x128xf32, #tpu.memory_space<hbm>>) dst(%dma_wait3A_890 : memref<128x128xf32, #tpu.memory_space<vmem>>)
      %mul3A_897 = arith.constant 6400 : i32
      %mul3A_898 = arith.muli %add3A, %mul3A_897 : i32
      %mul3A_899 = arith.constant 128 : i32
      %mul3A_900 = arith.muli %add3A_885, %mul3A_899 : i32
      %add3A_901 = arith.addi %mul3A_898, %mul3A_900 : i32
      %jit3A_902 = arith.constant 4096 : i32
      %div3A_903 = arith.divsi %add3A_901, %jit3A_902 : i32
      %sign3A_904 = arith.constant 0 : i32
      %sign3A_905 = arith.cmpi sgt, %add3A_901, %sign3A_904 : i32
      %sign3A_906 = arith.extui %sign3A_905 : i1 to i32
      %sign3A_907 = arith.constant 0 : i32
      %sign3A_908 = arith.cmpi slt, %add3A_901, %sign3A_907 : i32
      %sign3A_909 = arith.extui %sign3A_908 : i1 to i32
      %sign3A_910 = arith.subi %sign3A_906, %sign3A_909 : i32
      %sign3A_911 = arith.constant 0 : i32
      %sign3A_912 = arith.cmpi sgt, %jit3A_902, %sign3A_911 : i32
      %sign3A_913 = arith.extui %sign3A_912 : i1 to i32
      %sign3A_914 = arith.constant 0 : i32
      %sign3A_915 = arith.cmpi slt, %jit3A_902, %sign3A_914 : i32
      %sign3A_916 = arith.extui %sign3A_915 : i1 to i32
      %sign3A_917 = arith.subi %sign3A_913, %sign3A_916 : i32
      %ne3A_918 = arith.cmpi ne, %sign3A_910, %sign3A_917 : i32
      %rem3A_919 = arith.remsi %add3A_901, %jit3A_902 : i32
      %ne3A_920 = arith.constant 0 : i32
      %ne3A_921 = arith.cmpi ne, %rem3A_919, %ne3A_920 : i32
      %and3A_922 = arith.andi %ne3A_918, %ne3A_921 : i1
      %sub3A_923 = arith.constant 1 : i32
      %sub3A_924 = arith.subi %div3A_903, %sub3A_923 : i32
      %select_n3A_925 = arith.select %and3A_922, %sub3A_924, %div3A_903 : i32
      %jit3A_926 = arith.constant 4096 : i32
      %eq3A_927 = arith.constant 0 : i32
      %eq3A_928 = arith.cmpi eq, %jit3A_926, %eq3A_927 : i32
      %jit3A_929 = arith.constant 1 : i32
      %select_n3A_930 = arith.select %eq3A_928, %jit3A_929, %jit3A_926 : i32
      %rem3A_931 = arith.remsi %add3A_901, %select_n3A_930 : i32
      %ne3A_932 = arith.constant 0 : i32
      %ne3A_933 = arith.cmpi ne, %rem3A_931, %ne3A_932 : i32
      %lt3A_934 = arith.constant 0 : i32
      %lt3A_935 = arith.cmpi slt, %rem3A_931, %lt3A_934 : i32
      %lt3A_936 = arith.constant 0 : i32
      %lt3A_937 = arith.cmpi slt, %select_n3A_930, %lt3A_936 : i32
      %ne3A_938 = arith.xori %lt3A_935, %lt3A_937 : i1
      %and3A_939 = arith.andi %ne3A_938, %ne3A_933 : i1
      %add3A_940 = arith.addi %rem3A_931, %select_n3A_930 : i32
      %select_n3A_941 = arith.select %and3A_939, %add3A_940, %rem3A_931 : i32
      %dma_start3A_942 = arith.constant 4 : i32
      %dma_start3A_943 = arith.constant 0 : i32
      %dma_start3A_944 = arith.constant 0 : i32
      %dma_start3A_945 = tpu.memref_slice %arg6[%dma_start3A_942, %dma_start3A_943, %dma_start3A_944] : memref<7x128x128xf32, #tpu.memory_space<vmem>> -> memref<1x128x128xf32, #tpu.memory_space<vmem>>
      %dma_start3A_946 = tpu.memref_squeeze %dma_start3A_945 : memref<1x128x128xf32, #tpu.memory_space<vmem>> -> memref<128x128xf32, #tpu.memory_space<vmem>>
      %dma_start3A_947 = arith.constant 0 : i32
      %dma_start3A_948 = tpu.memref_slice %arg4[%select_n3A_925, %select_n3A_941, %dma_start3A_947] : memref<50x4096x128xf32, #tpu.memory_space<hbm>> -> memref<1x128x128xf32, #tpu.memory_space<hbm>>
      %dma_start3A_949 = tpu.memref_squeeze %dma_start3A_948 : memref<1x128x128xf32, #tpu.memory_space<hbm>> -> memref<128x128xf32, #tpu.memory_space<hbm>>
      %dma_start3A_950 = arith.constant 0 : i32
      %dma_start3A_951 = tpu.memref_slice %arg4[%select_n3A_925, %select_n3A_941, %dma_start3A_950] : memref<50x4096x128xf32, #tpu.memory_space<hbm>> -> memref<1x128x128xf32, #tpu.memory_space<hbm>>
      %dma_start3A_952 = tpu.memref_squeeze %dma_start3A_951 : memref<1x128x128xf32, #tpu.memory_space<hbm>> -> memref<128x128xf32, #tpu.memory_space<hbm>>
      %dma_start3A_953 = arith.constant 0 : i32
      %dma_start3A_954 = arith.constant 0 : i32
      %dma_start3A_955 = tpu.memref_slice %arg6[%dma_start3A_942, %dma_start3A_953, %dma_start3A_954] : memref<7x128x128xf32, #tpu.memory_space<vmem>> -> memref<1x128x128xf32, #tpu.memory_space<vmem>>
      %dma_start3A_956 = tpu.memref_squeeze %dma_start3A_955 : memref<1x128x128xf32, #tpu.memory_space<vmem>> -> memref<128x128xf32, #tpu.memory_space<vmem>>
      tpu.enqueue_dma source(%dma_start3A_956 : memref<128x128xf32, #tpu.memory_space<vmem>>) target(%dma_start3A_952 : memref<128x128xf32, #tpu.memory_space<hbm>>) target_semaphore(%arg18 : memref<!tpu.dma_semaphore, #tpu.memory_space<semaphore_mem>>)
      %add3A_957 = arith.constant 7 : i32
      %add3A_958 = arith.addi %add3A_885, %add3A_957 : i32
      %lt3A_959 = arith.constant 50 : i32
      %lt3A_960 = arith.cmpi slt, %add3A_958, %lt3A_959 : i32
      %convert_element_type3A_961 = arith.extui %lt3A_960 : i1 to i32
      %cond3A_962 = arith.constant 0 : i32
      %cond3A_963 = arith.cmpi ne, %convert_element_type3A_961, %cond3A_962 : i32
      scf.if %cond3A_963 {
        %mul3A_1124 = arith.constant 6400 : i32
        %mul3A_1125 = arith.muli %add3A, %mul3A_1124 : i32
        %mul3A_1126 = arith.constant 128 : i32
        %mul3A_1127 = arith.muli %add3A_885, %mul3A_1126 : i32
        %add3A_1128 = arith.addi %mul3A_1125, %mul3A_1127 : i32
        %jit3A_1129 = arith.constant 4096 : i32
        %div3A_1130 = arith.divsi %add3A_1128, %jit3A_1129 : i32
        %sign3A_1131 = arith.constant 0 : i32
        %sign3A_1132 = arith.cmpi sgt, %add3A_1128, %sign3A_1131 : i32
        %sign3A_1133 = arith.extui %sign3A_1132 : i1 to i32
        %sign3A_1134 = arith.constant 0 : i32
        %sign3A_1135 = arith.cmpi slt, %add3A_1128, %sign3A_1134 : i32
        %sign3A_1136 = arith.extui %sign3A_1135 : i1 to i32
        %sign3A_1137 = arith.subi %sign3A_1133, %sign3A_1136 : i32
        %sign3A_1138 = arith.constant 0 : i32
        %sign3A_1139 = arith.cmpi sgt, %jit3A_1129, %sign3A_1138 : i32
        %sign3A_1140 = arith.extui %sign3A_1139 : i1 to i32
        %sign3A_1141 = arith.constant 0 : i32
        %sign3A_1142 = arith.cmpi slt, %jit3A_1129, %sign3A_1141 : i32
        %sign3A_1143 = arith.extui %sign3A_1142 : i1 to i32
        %sign3A_1144 = arith.subi %sign3A_1140, %sign3A_1143 : i32
        %ne3A_1145 = arith.cmpi ne, %sign3A_1137, %sign3A_1144 : i32
        %rem3A_1146 = arith.remsi %add3A_1128, %jit3A_1129 : i32
        %ne3A_1147 = arith.constant 0 : i32
        %ne3A_1148 = arith.cmpi ne, %rem3A_1146, %ne3A_1147 : i32
        %and3A_1149 = arith.andi %ne3A_1145, %ne3A_1148 : i1
        %sub3A_1150 = arith.constant 1 : i32
        %sub3A_1151 = arith.subi %div3A_1130, %sub3A_1150 : i32
        %select_n3A_1152 = arith.select %and3A_1149, %sub3A_1151, %div3A_1130 : i32
        %jit3A_1153 = arith.constant 4096 : i32
        %eq3A_1154 = arith.constant 0 : i32
        %eq3A_1155 = arith.cmpi eq, %jit3A_1153, %eq3A_1154 : i32
        %jit3A_1156 = arith.constant 1 : i32
        %select_n3A_1157 = arith.select %eq3A_1155, %jit3A_1156, %jit3A_1153 : i32
        %rem3A_1158 = arith.remsi %add3A_1128, %select_n3A_1157 : i32
        %ne3A_1159 = arith.constant 0 : i32
        %ne3A_1160 = arith.cmpi ne, %rem3A_1158, %ne3A_1159 : i32
        %lt3A_1161 = arith.constant 0 : i32
        %lt3A_1162 = arith.cmpi slt, %rem3A_1158, %lt3A_1161 : i32
        %lt3A_1163 = arith.constant 0 : i32
        %lt3A_1164 = arith.cmpi slt, %select_n3A_1157, %lt3A_1163 : i32
        %ne3A_1165 = arith.xori %lt3A_1162, %lt3A_1164 : i1
        %and3A_1166 = arith.andi %ne3A_1165, %ne3A_1160 : i1
        %add3A_1167 = arith.addi %rem3A_1158, %select_n3A_1157 : i32
        %select_n3A_1168 = arith.select %and3A_1166, %add3A_1167, %rem3A_1158 : i32
        %dma_wait3A_1169 = arith.constant 4 : i32
        %dma_wait3A_1170 = arith.constant 0 : i32
        %dma_wait3A_1171 = arith.constant 0 : i32
        %dma_wait3A_1172 = tpu.memref_slice %arg6[%dma_wait3A_1169, %dma_wait3A_1170, %dma_wait3A_1171] : memref<7x128x128xf32, #tpu.memory_space<vmem>> -> memref<1x128x128xf32, #tpu.memory_space<vmem>>
        %dma_wait3A_1173 = tpu.memref_squeeze %dma_wait3A_1172 : memref<1x128x128xf32, #tpu.memory_space<vmem>> -> memref<128x128xf32, #tpu.memory_space<vmem>>
        %dma_wait3A_1174 = arith.constant 0 : i32
        %dma_wait3A_1175 = tpu.memref_slice %arg4[%select_n3A_1152, %select_n3A_1168, %dma_wait3A_1174] : memref<50x4096x128xf32, #tpu.memory_space<hbm>> -> memref<1x128x128xf32, #tpu.memory_space<hbm>>
        %dma_wait3A_1176 = tpu.memref_squeeze %dma_wait3A_1175 : memref<1x128x128xf32, #tpu.memory_space<hbm>> -> memref<128x128xf32, #tpu.memory_space<hbm>>
        %dma_wait3A_1177 = arith.constant 0 : i32
        %dma_wait3A_1178 = tpu.memref_slice %arg4[%select_n3A_1152, %select_n3A_1168, %dma_wait3A_1177] : memref<50x4096x128xf32, #tpu.memory_space<hbm>> -> memref<1x128x128xf32, #tpu.memory_space<hbm>>
        %dma_wait3A_1179 = tpu.memref_squeeze %dma_wait3A_1178 : memref<1x128x128xf32, #tpu.memory_space<hbm>> -> memref<128x128xf32, #tpu.memory_space<hbm>>
        %dma_wait3A_1180 = arith.constant 0 : i32
        %dma_wait3A_1181 = arith.constant 0 : i32
        %dma_wait3A_1182 = tpu.memref_slice %arg6[%dma_wait3A_1169, %dma_wait3A_1180, %dma_wait3A_1181] : memref<7x128x128xf32, #tpu.memory_space<vmem>> -> memref<1x128x128xf32, #tpu.memory_space<vmem>>
        %dma_wait3A_1183 = tpu.memref_squeeze %dma_wait3A_1182 : memref<1x128x128xf32, #tpu.memory_space<vmem>> -> memref<128x128xf32, #tpu.memory_space<vmem>>
        tpu.wait_dma2 semaphore(%arg18 : memref<!tpu.dma_semaphore, #tpu.memory_space<semaphore_mem>>) src(%dma_wait3A_1183 : memref<128x128xf32, #tpu.memory_space<vmem>>) dst(%dma_wait3A_1179 : memref<128x128xf32, #tpu.memory_space<hbm>>)
        %add3A_1184 = arith.constant 7 : i32
        %add3A_1185 = arith.addi %add3A_885, %add3A_1184 : i32
        %dma_start3A_1186 = arith.constant 4 : i32
        %dma_start3A_1187 = arith.constant 0 : i32
        %dma_start3A_1188 = arith.constant 0 : i32
        %dma_start3A_1189 = tpu.memref_slice %arg6[%dma_start3A_1186, %dma_start3A_1187, %dma_start3A_1188] : memref<7x128x128xf32, #tpu.memory_space<vmem>> -> memref<1x128x128xf32, #tpu.memory_space<vmem>>
        %dma_start3A_1190 = tpu.memref_squeeze %dma_start3A_1189 : memref<1x128x128xf32, #tpu.memory_space<vmem>> -> memref<128x128xf32, #tpu.memory_space<vmem>>
        %dma_start3A_1191 = arith.constant 0 : i32
        %dma_start3A_1192 = tpu.memref_slice %arg5[%add3A_1185, %dma_start3A_1191] : memref<50x128xi32, #tpu.memory_space<vmem>> -> memref<1x128xi32, #tpu.memory_space<vmem>>
        %dma_start3A_1193 = tpu.memref_squeeze %dma_start3A_1192 : memref<1x128xi32, #tpu.memory_space<vmem>> -> memref<128xi32, #tpu.memory_space<vmem>>
        %dma_start3A_1194 = arith.constant 0 : i32
        %dma_start3A_1195 = arith.constant 0 : i32
        %dma_start3A_1196 = tpu.memref_slice %arg2[%dma_start3A_1194, %dma_start3A_1195] : memref<100000x128xf32, #tpu.memory_space<hbm>> -> memref<100000x128xf32, #tpu.memory_space<hbm>>
        tpu.enqueue_indirect_dma source(%dma_start3A_1196 : memref<100000x128xf32, #tpu.memory_space<hbm>>) target(%dma_start3A_1190 : memref<128x128xf32, #tpu.memory_space<vmem>>) offsets(%dma_start3A_1193 : memref<128xi32, #tpu.memory_space<vmem>>) semaphore(%arg11 : memref<!tpu.dma_semaphore, #tpu.memory_space<semaphore_mem>>)
      } else {
      }
      %add3A_964 = arith.constant 5 : i32
      %add3A_965 = arith.addi %add3A_565, %add3A_964 : i32
      %dma_wait3A_966 = arith.constant 5 : i32
      %dma_wait3A_967 = arith.constant 0 : i32
      %dma_wait3A_968 = arith.constant 0 : i32
      %dma_wait3A_969 = tpu.memref_slice %arg6[%dma_wait3A_966, %dma_wait3A_967, %dma_wait3A_968] : memref<7x128x128xf32, #tpu.memory_space<vmem>> -> memref<1x128x128xf32, #tpu.memory_space<vmem>>
      %dma_wait3A_970 = tpu.memref_squeeze %dma_wait3A_969 : memref<1x128x128xf32, #tpu.memory_space<vmem>> -> memref<128x128xf32, #tpu.memory_space<vmem>>
      %dma_wait3A_971 = arith.constant 0 : i32
      %dma_wait3A_972 = tpu.memref_slice %arg5[%add3A_965, %dma_wait3A_971] : memref<50x128xi32, #tpu.memory_space<vmem>> -> memref<1x128xi32, #tpu.memory_space<vmem>>
      %dma_wait3A_973 = tpu.memref_squeeze %dma_wait3A_972 : memref<1x128xi32, #tpu.memory_space<vmem>> -> memref<128xi32, #tpu.memory_space<vmem>>
      %dma_wait3A_974 = arith.constant 0 : i32
      %dma_wait3A_975 = arith.constant 0 : i32
      %dma_wait3A_976 = tpu.memref_slice %arg2[%dma_wait3A_974, %dma_wait3A_975] : memref<100000x128xf32, #tpu.memory_space<hbm>> -> memref<100000x128xf32, #tpu.memory_space<hbm>>
      tpu.wait_indirect_dma semaphore(%arg12 : memref<!tpu.dma_semaphore, #tpu.memory_space<semaphore_mem>>) src(%dma_wait3A_976 : memref<100000x128xf32, #tpu.memory_space<hbm>>) dst(%dma_wait3A_970 : memref<128x128xf32, #tpu.memory_space<vmem>>)
      %mul3A_977 = arith.constant 6400 : i32
      %mul3A_978 = arith.muli %add3A, %mul3A_977 : i32
      %mul3A_979 = arith.constant 128 : i32
      %mul3A_980 = arith.muli %add3A_965, %mul3A_979 : i32
      %add3A_981 = arith.addi %mul3A_978, %mul3A_980 : i32
      %jit3A_982 = arith.constant 4096 : i32
      %div3A_983 = arith.divsi %add3A_981, %jit3A_982 : i32
      %sign3A_984 = arith.constant 0 : i32
      %sign3A_985 = arith.cmpi sgt, %add3A_981, %sign3A_984 : i32
      %sign3A_986 = arith.extui %sign3A_985 : i1 to i32
      %sign3A_987 = arith.constant 0 : i32
      %sign3A_988 = arith.cmpi slt, %add3A_981, %sign3A_987 : i32
      %sign3A_989 = arith.extui %sign3A_988 : i1 to i32
      %sign3A_990 = arith.subi %sign3A_986, %sign3A_989 : i32
      %sign3A_991 = arith.constant 0 : i32
      %sign3A_992 = arith.cmpi sgt, %jit3A_982, %sign3A_991 : i32
      %sign3A_993 = arith.extui %sign3A_992 : i1 to i32
      %sign3A_994 = arith.constant 0 : i32
      %sign3A_995 = arith.cmpi slt, %jit3A_982, %sign3A_994 : i32
      %sign3A_996 = arith.extui %sign3A_995 : i1 to i32
      %sign3A_997 = arith.subi %sign3A_993, %sign3A_996 : i32
      %ne3A_998 = arith.cmpi ne, %sign3A_990, %sign3A_997 : i32
      %rem3A_999 = arith.remsi %add3A_981, %jit3A_982 : i32
      %ne3A_1000 = arith.constant 0 : i32
      %ne3A_1001 = arith.cmpi ne, %rem3A_999, %ne3A_1000 : i32
      %and3A_1002 = arith.andi %ne3A_998, %ne3A_1001 : i1
      %sub3A_1003 = arith.constant 1 : i32
      %sub3A_1004 = arith.subi %div3A_983, %sub3A_1003 : i32
      %select_n3A_1005 = arith.select %and3A_1002, %sub3A_1004, %div3A_983 : i32
      %jit3A_1006 = arith.constant 4096 : i32
      %eq3A_1007 = arith.constant 0 : i32
      %eq3A_1008 = arith.cmpi eq, %jit3A_1006, %eq3A_1007 : i32
      %jit3A_1009 = arith.constant 1 : i32
      %select_n3A_1010 = arith.select %eq3A_1008, %jit3A_1009, %jit3A_1006 : i32
      %rem3A_1011 = arith.remsi %add3A_981, %select_n3A_1010 : i32
      %ne3A_1012 = arith.constant 0 : i32
      %ne3A_1013 = arith.cmpi ne, %rem3A_1011, %ne3A_1012 : i32
      %lt3A_1014 = arith.constant 0 : i32
      %lt3A_1015 = arith.cmpi slt, %rem3A_1011, %lt3A_1014 : i32
      %lt3A_1016 = arith.constant 0 : i32
      %lt3A_1017 = arith.cmpi slt, %select_n3A_1010, %lt3A_1016 : i32
      %ne3A_1018 = arith.xori %lt3A_1015, %lt3A_1017 : i1
      %and3A_1019 = arith.andi %ne3A_1018, %ne3A_1013 : i1
      %add3A_1020 = arith.addi %rem3A_1011, %select_n3A_1010 : i32
      %select_n3A_1021 = arith.select %and3A_1019, %add3A_1020, %rem3A_1011 : i32
      %dma_start3A_1022 = arith.constant 5 : i32
      %dma_start3A_1023 = arith.constant 0 : i32
      %dma_start3A_1024 = arith.constant 0 : i32
      %dma_start3A_1025 = tpu.memref_slice %arg6[%dma_start3A_1022, %dma_start3A_1023, %dma_start3A_1024] : memref<7x128x128xf32, #tpu.memory_space<vmem>> -> memref<1x128x128xf32, #tpu.memory_space<vmem>>
      %dma_start3A_1026 = tpu.memref_squeeze %dma_start3A_1025 : memref<1x128x128xf32, #tpu.memory_space<vmem>> -> memref<128x128xf32, #tpu.memory_space<vmem>>
      %dma_start3A_1027 = arith.constant 0 : i32
      %dma_start3A_1028 = tpu.memref_slice %arg4[%select_n3A_1005, %select_n3A_1021, %dma_start3A_1027] : memref<50x4096x128xf32, #tpu.memory_space<hbm>> -> memref<1x128x128xf32, #tpu.memory_space<hbm>>
      %dma_start3A_1029 = tpu.memref_squeeze %dma_start3A_1028 : memref<1x128x128xf32, #tpu.memory_space<hbm>> -> memref<128x128xf32, #tpu.memory_space<hbm>>
      %dma_start3A_1030 = arith.constant 0 : i32
      %dma_start3A_1031 = tpu.memref_slice %arg4[%select_n3A_1005, %select_n3A_1021, %dma_start3A_1030] : memref<50x4096x128xf32, #tpu.memory_space<hbm>> -> memref<1x128x128xf32, #tpu.memory_space<hbm>>
      %dma_start3A_1032 = tpu.memref_squeeze %dma_start3A_1031 : memref<1x128x128xf32, #tpu.memory_space<hbm>> -> memref<128x128xf32, #tpu.memory_space<hbm>>
      %dma_start3A_1033 = arith.constant 0 : i32
      %dma_start3A_1034 = arith.constant 0 : i32
      %dma_start3A_1035 = tpu.memref_slice %arg6[%dma_start3A_1022, %dma_start3A_1033, %dma_start3A_1034] : memref<7x128x128xf32, #tpu.memory_space<vmem>> -> memref<1x128x128xf32, #tpu.memory_space<vmem>>
      %dma_start3A_1036 = tpu.memref_squeeze %dma_start3A_1035 : memref<1x128x128xf32, #tpu.memory_space<vmem>> -> memref<128x128xf32, #tpu.memory_space<vmem>>
      tpu.enqueue_dma source(%dma_start3A_1036 : memref<128x128xf32, #tpu.memory_space<vmem>>) target(%dma_start3A_1032 : memref<128x128xf32, #tpu.memory_space<hbm>>) target_semaphore(%arg19 : memref<!tpu.dma_semaphore, #tpu.memory_space<semaphore_mem>>)
      %add3A_1037 = arith.constant 7 : i32
      %add3A_1038 = arith.addi %add3A_965, %add3A_1037 : i32
      %lt3A_1039 = arith.constant 50 : i32
      %lt3A_1040 = arith.cmpi slt, %add3A_1038, %lt3A_1039 : i32
      %convert_element_type3A_1041 = arith.extui %lt3A_1040 : i1 to i32
      %cond3A_1042 = arith.constant 0 : i32
      %cond3A_1043 = arith.cmpi ne, %convert_element_type3A_1041, %cond3A_1042 : i32
      scf.if %cond3A_1043 {
        %mul3A_1124 = arith.constant 6400 : i32
        %mul3A_1125 = arith.muli %add3A, %mul3A_1124 : i32
        %mul3A_1126 = arith.constant 128 : i32
        %mul3A_1127 = arith.muli %add3A_965, %mul3A_1126 : i32
        %add3A_1128 = arith.addi %mul3A_1125, %mul3A_1127 : i32
        %jit3A_1129 = arith.constant 4096 : i32
        %div3A_1130 = arith.divsi %add3A_1128, %jit3A_1129 : i32
        %sign3A_1131 = arith.constant 0 : i32
        %sign3A_1132 = arith.cmpi sgt, %add3A_1128, %sign3A_1131 : i32
        %sign3A_1133 = arith.extui %sign3A_1132 : i1 to i32
        %sign3A_1134 = arith.constant 0 : i32
        %sign3A_1135 = arith.cmpi slt, %add3A_1128, %sign3A_1134 : i32
        %sign3A_1136 = arith.extui %sign3A_1135 : i1 to i32
        %sign3A_1137 = arith.subi %sign3A_1133, %sign3A_1136 : i32
        %sign3A_1138 = arith.constant 0 : i32
        %sign3A_1139 = arith.cmpi sgt, %jit3A_1129, %sign3A_1138 : i32
        %sign3A_1140 = arith.extui %sign3A_1139 : i1 to i32
        %sign3A_1141 = arith.constant 0 : i32
        %sign3A_1142 = arith.cmpi slt, %jit3A_1129, %sign3A_1141 : i32
        %sign3A_1143 = arith.extui %sign3A_1142 : i1 to i32
        %sign3A_1144 = arith.subi %sign3A_1140, %sign3A_1143 : i32
        %ne3A_1145 = arith.cmpi ne, %sign3A_1137, %sign3A_1144 : i32
        %rem3A_1146 = arith.remsi %add3A_1128, %jit3A_1129 : i32
        %ne3A_1147 = arith.constant 0 : i32
        %ne3A_1148 = arith.cmpi ne, %rem3A_1146, %ne3A_1147 : i32
        %and3A_1149 = arith.andi %ne3A_1145, %ne3A_1148 : i1
        %sub3A_1150 = arith.constant 1 : i32
        %sub3A_1151 = arith.subi %div3A_1130, %sub3A_1150 : i32
        %select_n3A_1152 = arith.select %and3A_1149, %sub3A_1151, %div3A_1130 : i32
        %jit3A_1153 = arith.constant 4096 : i32
        %eq3A_1154 = arith.constant 0 : i32
        %eq3A_1155 = arith.cmpi eq, %jit3A_1153, %eq3A_1154 : i32
        %jit3A_1156 = arith.constant 1 : i32
        %select_n3A_1157 = arith.select %eq3A_1155, %jit3A_1156, %jit3A_1153 : i32
        %rem3A_1158 = arith.remsi %add3A_1128, %select_n3A_1157 : i32
        %ne3A_1159 = arith.constant 0 : i32
        %ne3A_1160 = arith.cmpi ne, %rem3A_1158, %ne3A_1159 : i32
        %lt3A_1161 = arith.constant 0 : i32
        %lt3A_1162 = arith.cmpi slt, %rem3A_1158, %lt3A_1161 : i32
        %lt3A_1163 = arith.constant 0 : i32
        %lt3A_1164 = arith.cmpi slt, %select_n3A_1157, %lt3A_1163 : i32
        %ne3A_1165 = arith.xori %lt3A_1162, %lt3A_1164 : i1
        %and3A_1166 = arith.andi %ne3A_1165, %ne3A_1160 : i1
        %add3A_1167 = arith.addi %rem3A_1158, %select_n3A_1157 : i32
        %select_n3A_1168 = arith.select %and3A_1166, %add3A_1167, %rem3A_1158 : i32
        %dma_wait3A_1169 = arith.constant 5 : i32
        %dma_wait3A_1170 = arith.constant 0 : i32
        %dma_wait3A_1171 = arith.constant 0 : i32
        %dma_wait3A_1172 = tpu.memref_slice %arg6[%dma_wait3A_1169, %dma_wait3A_1170, %dma_wait3A_1171] : memref<7x128x128xf32, #tpu.memory_space<vmem>> -> memref<1x128x128xf32, #tpu.memory_space<vmem>>
        %dma_wait3A_1173 = tpu.memref_squeeze %dma_wait3A_1172 : memref<1x128x128xf32, #tpu.memory_space<vmem>> -> memref<128x128xf32, #tpu.memory_space<vmem>>
        %dma_wait3A_1174 = arith.constant 0 : i32
        %dma_wait3A_1175 = tpu.memref_slice %arg4[%select_n3A_1152, %select_n3A_1168, %dma_wait3A_1174] : memref<50x4096x128xf32, #tpu.memory_space<hbm>> -> memref<1x128x128xf32, #tpu.memory_space<hbm>>
        %dma_wait3A_1176 = tpu.memref_squeeze %dma_wait3A_1175 : memref<1x128x128xf32, #tpu.memory_space<hbm>> -> memref<128x128xf32, #tpu.memory_space<hbm>>
        %dma_wait3A_1177 = arith.constant 0 : i32
        %dma_wait3A_1178 = tpu.memref_slice %arg4[%select_n3A_1152, %select_n3A_1168, %dma_wait3A_1177] : memref<50x4096x128xf32, #tpu.memory_space<hbm>> -> memref<1x128x128xf32, #tpu.memory_space<hbm>>
        %dma_wait3A_1179 = tpu.memref_squeeze %dma_wait3A_1178 : memref<1x128x128xf32, #tpu.memory_space<hbm>> -> memref<128x128xf32, #tpu.memory_space<hbm>>
        %dma_wait3A_1180 = arith.constant 0 : i32
        %dma_wait3A_1181 = arith.constant 0 : i32
        %dma_wait3A_1182 = tpu.memref_slice %arg6[%dma_wait3A_1169, %dma_wait3A_1180, %dma_wait3A_1181] : memref<7x128x128xf32, #tpu.memory_space<vmem>> -> memref<1x128x128xf32, #tpu.memory_space<vmem>>
        %dma_wait3A_1183 = tpu.memref_squeeze %dma_wait3A_1182 : memref<1x128x128xf32, #tpu.memory_space<vmem>> -> memref<128x128xf32, #tpu.memory_space<vmem>>
        tpu.wait_dma2 semaphore(%arg19 : memref<!tpu.dma_semaphore, #tpu.memory_space<semaphore_mem>>) src(%dma_wait3A_1183 : memref<128x128xf32, #tpu.memory_space<vmem>>) dst(%dma_wait3A_1179 : memref<128x128xf32, #tpu.memory_space<hbm>>)
        %add3A_1184 = arith.constant 7 : i32
        %add3A_1185 = arith.addi %add3A_965, %add3A_1184 : i32
        %dma_start3A_1186 = arith.constant 5 : i32
        %dma_start3A_1187 = arith.constant 0 : i32
        %dma_start3A_1188 = arith.constant 0 : i32
        %dma_start3A_1189 = tpu.memref_slice %arg6[%dma_start3A_1186, %dma_start3A_1187, %dma_start3A_1188] : memref<7x128x128xf32, #tpu.memory_space<vmem>> -> memref<1x128x128xf32, #tpu.memory_space<vmem>>
        %dma_start3A_1190 = tpu.memref_squeeze %dma_start3A_1189 : memref<1x128x128xf32, #tpu.memory_space<vmem>> -> memref<128x128xf32, #tpu.memory_space<vmem>>
        %dma_start3A_1191 = arith.constant 0 : i32
        %dma_start3A_1192 = tpu.memref_slice %arg5[%add3A_1185, %dma_start3A_1191] : memref<50x128xi32, #tpu.memory_space<vmem>> -> memref<1x128xi32, #tpu.memory_space<vmem>>
        %dma_start3A_1193 = tpu.memref_squeeze %dma_start3A_1192 : memref<1x128xi32, #tpu.memory_space<vmem>> -> memref<128xi32, #tpu.memory_space<vmem>>
        %dma_start3A_1194 = arith.constant 0 : i32
        %dma_start3A_1195 = arith.constant 0 : i32
        %dma_start3A_1196 = tpu.memref_slice %arg2[%dma_start3A_1194, %dma_start3A_1195] : memref<100000x128xf32, #tpu.memory_space<hbm>> -> memref<100000x128xf32, #tpu.memory_space<hbm>>
        tpu.enqueue_indirect_dma source(%dma_start3A_1196 : memref<100000x128xf32, #tpu.memory_space<hbm>>) target(%dma_start3A_1190 : memref<128x128xf32, #tpu.memory_space<vmem>>) offsets(%dma_start3A_1193 : memref<128xi32, #tpu.memory_space<vmem>>) semaphore(%arg12 : memref<!tpu.dma_semaphore, #tpu.memory_space<semaphore_mem>>)
      } else {
      }
      %add3A_1044 = arith.constant 6 : i32
      %add3A_1045 = arith.addi %add3A_565, %add3A_1044 : i32
      %dma_wait3A_1046 = arith.constant 6 : i32
      %dma_wait3A_1047 = arith.constant 0 : i32
      %dma_wait3A_1048 = arith.constant 0 : i32
      %dma_wait3A_1049 = tpu.memref_slice %arg6[%dma_wait3A_1046, %dma_wait3A_1047, %dma_wait3A_1048] : memref<7x128x128xf32, #tpu.memory_space<vmem>> -> memref<1x128x128xf32, #tpu.memory_space<vmem>>
      %dma_wait3A_1050 = tpu.memref_squeeze %dma_wait3A_1049 : memref<1x128x128xf32, #tpu.memory_space<vmem>> -> memref<128x128xf32, #tpu.memory_space<vmem>>
      %dma_wait3A_1051 = arith.constant 0 : i32
      %dma_wait3A_1052 = tpu.memref_slice %arg5[%add3A_1045, %dma_wait3A_1051] : memref<50x128xi32, #tpu.memory_space<vmem>> -> memref<1x128xi32, #tpu.memory_space<vmem>>
      %dma_wait3A_1053 = tpu.memref_squeeze %dma_wait3A_1052 : memref<1x128xi32, #tpu.memory_space<vmem>> -> memref<128xi32, #tpu.memory_space<vmem>>
      %dma_wait3A_1054 = arith.constant 0 : i32
      %dma_wait3A_1055 = arith.constant 0 : i32
      %dma_wait3A_1056 = tpu.memref_slice %arg2[%dma_wait3A_1054, %dma_wait3A_1055] : memref<100000x128xf32, #tpu.memory_space<hbm>> -> memref<100000x128xf32, #tpu.memory_space<hbm>>
      tpu.wait_indirect_dma semaphore(%arg13 : memref<!tpu.dma_semaphore, #tpu.memory_space<semaphore_mem>>) src(%dma_wait3A_1056 : memref<100000x128xf32, #tpu.memory_space<hbm>>) dst(%dma_wait3A_1050 : memref<128x128xf32, #tpu.memory_space<vmem>>)
      %mul3A_1057 = arith.constant 6400 : i32
      %mul3A_1058 = arith.muli %add3A, %mul3A_1057 : i32
      %mul3A_1059 = arith.constant 128 : i32
      %mul3A_1060 = arith.muli %add3A_1045, %mul3A_1059 : i32
      %add3A_1061 = arith.addi %mul3A_1058, %mul3A_1060 : i32
      %jit3A_1062 = arith.constant 4096 : i32
      %div3A_1063 = arith.divsi %add3A_1061, %jit3A_1062 : i32
      %sign3A_1064 = arith.constant 0 : i32
      %sign3A_1065 = arith.cmpi sgt, %add3A_1061, %sign3A_1064 : i32
      %sign3A_1066 = arith.extui %sign3A_1065 : i1 to i32
      %sign3A_1067 = arith.constant 0 : i32
      %sign3A_1068 = arith.cmpi slt, %add3A_1061, %sign3A_1067 : i32
      %sign3A_1069 = arith.extui %sign3A_1068 : i1 to i32
      %sign3A_1070 = arith.subi %sign3A_1066, %sign3A_1069 : i32
      %sign3A_1071 = arith.constant 0 : i32
      %sign3A_1072 = arith.cmpi sgt, %jit3A_1062, %sign3A_1071 : i32
      %sign3A_1073 = arith.extui %sign3A_1072 : i1 to i32
      %sign3A_1074 = arith.constant 0 : i32
      %sign3A_1075 = arith.cmpi slt, %jit3A_1062, %sign3A_1074 : i32
      %sign3A_1076 = arith.extui %sign3A_1075 : i1 to i32
      %sign3A_1077 = arith.subi %sign3A_1073, %sign3A_1076 : i32
      %ne3A_1078 = arith.cmpi ne, %sign3A_1070, %sign3A_1077 : i32
      %rem3A_1079 = arith.remsi %add3A_1061, %jit3A_1062 : i32
      %ne3A_1080 = arith.constant 0 : i32
      %ne3A_1081 = arith.cmpi ne, %rem3A_1079, %ne3A_1080 : i32
      %and3A_1082 = arith.andi %ne3A_1078, %ne3A_1081 : i1
      %sub3A_1083 = arith.constant 1 : i32
      %sub3A_1084 = arith.subi %div3A_1063, %sub3A_1083 : i32
      %select_n3A_1085 = arith.select %and3A_1082, %sub3A_1084, %div3A_1063 : i32
      %jit3A_1086 = arith.constant 4096 : i32
      %eq3A_1087 = arith.constant 0 : i32
      %eq3A_1088 = arith.cmpi eq, %jit3A_1086, %eq3A_1087 : i32
      %jit3A_1089 = arith.constant 1 : i32
      %select_n3A_1090 = arith.select %eq3A_1088, %jit3A_1089, %jit3A_1086 : i32
      %rem3A_1091 = arith.remsi %add3A_1061, %select_n3A_1090 : i32
      %ne3A_1092 = arith.constant 0 : i32
      %ne3A_1093 = arith.cmpi ne, %rem3A_1091, %ne3A_1092 : i32
      %lt3A_1094 = arith.constant 0 : i32
      %lt3A_1095 = arith.cmpi slt, %rem3A_1091, %lt3A_1094 : i32
      %lt3A_1096 = arith.constant 0 : i32
      %lt3A_1097 = arith.cmpi slt, %select_n3A_1090, %lt3A_1096 : i32
      %ne3A_1098 = arith.xori %lt3A_1095, %lt3A_1097 : i1
      %and3A_1099 = arith.andi %ne3A_1098, %ne3A_1093 : i1
      %add3A_1100 = arith.addi %rem3A_1091, %select_n3A_1090 : i32
      %select_n3A_1101 = arith.select %and3A_1099, %add3A_1100, %rem3A_1091 : i32
      %dma_start3A_1102 = arith.constant 6 : i32
      %dma_start3A_1103 = arith.constant 0 : i32
      %dma_start3A_1104 = arith.constant 0 : i32
      %dma_start3A_1105 = tpu.memref_slice %arg6[%dma_start3A_1102, %dma_start3A_1103, %dma_start3A_1104] : memref<7x128x128xf32, #tpu.memory_space<vmem>> -> memref<1x128x128xf32, #tpu.memory_space<vmem>>
      %dma_start3A_1106 = tpu.memref_squeeze %dma_start3A_1105 : memref<1x128x128xf32, #tpu.memory_space<vmem>> -> memref<128x128xf32, #tpu.memory_space<vmem>>
      %dma_start3A_1107 = arith.constant 0 : i32
      %dma_start3A_1108 = tpu.memref_slice %arg4[%select_n3A_1085, %select_n3A_1101, %dma_start3A_1107] : memref<50x4096x128xf32, #tpu.memory_space<hbm>> -> memref<1x128x128xf32, #tpu.memory_space<hbm>>
      %dma_start3A_1109 = tpu.memref_squeeze %dma_start3A_1108 : memref<1x128x128xf32, #tpu.memory_space<hbm>> -> memref<128x128xf32, #tpu.memory_space<hbm>>
      %dma_start3A_1110 = arith.constant 0 : i32
      %dma_start3A_1111 = tpu.memref_slice %arg4[%select_n3A_1085, %select_n3A_1101, %dma_start3A_1110] : memref<50x4096x128xf32, #tpu.memory_space<hbm>> -> memref<1x128x128xf32, #tpu.memory_space<hbm>>
      %dma_start3A_1112 = tpu.memref_squeeze %dma_start3A_1111 : memref<1x128x128xf32, #tpu.memory_space<hbm>> -> memref<128x128xf32, #tpu.memory_space<hbm>>
      %dma_start3A_1113 = arith.constant 0 : i32
      %dma_start3A_1114 = arith.constant 0 : i32
      %dma_start3A_1115 = tpu.memref_slice %arg6[%dma_start3A_1102, %dma_start3A_1113, %dma_start3A_1114] : memref<7x128x128xf32, #tpu.memory_space<vmem>> -> memref<1x128x128xf32, #tpu.memory_space<vmem>>
      %dma_start3A_1116 = tpu.memref_squeeze %dma_start3A_1115 : memref<1x128x128xf32, #tpu.memory_space<vmem>> -> memref<128x128xf32, #tpu.memory_space<vmem>>
      tpu.enqueue_dma source(%dma_start3A_1116 : memref<128x128xf32, #tpu.memory_space<vmem>>) target(%dma_start3A_1112 : memref<128x128xf32, #tpu.memory_space<hbm>>) target_semaphore(%arg20 : memref<!tpu.dma_semaphore, #tpu.memory_space<semaphore_mem>>)
      %add3A_1117 = arith.constant 7 : i32
      %add3A_1118 = arith.addi %add3A_1045, %add3A_1117 : i32
      %lt3A_1119 = arith.constant 50 : i32
      %lt3A_1120 = arith.cmpi slt, %add3A_1118, %lt3A_1119 : i32
      %convert_element_type3A_1121 = arith.extui %lt3A_1120 : i1 to i32
      %cond3A_1122 = arith.constant 0 : i32
      %cond3A_1123 = arith.cmpi ne, %convert_element_type3A_1121, %cond3A_1122 : i32
      scf.if %cond3A_1123 {
        %mul3A_1124 = arith.constant 6400 : i32
        %mul3A_1125 = arith.muli %add3A, %mul3A_1124 : i32
        %mul3A_1126 = arith.constant 128 : i32
        %mul3A_1127 = arith.muli %add3A_1045, %mul3A_1126 : i32
        %add3A_1128 = arith.addi %mul3A_1125, %mul3A_1127 : i32
        %jit3A_1129 = arith.constant 4096 : i32
        %div3A_1130 = arith.divsi %add3A_1128, %jit3A_1129 : i32
        %sign3A_1131 = arith.constant 0 : i32
        %sign3A_1132 = arith.cmpi sgt, %add3A_1128, %sign3A_1131 : i32
        %sign3A_1133 = arith.extui %sign3A_1132 : i1 to i32
        %sign3A_1134 = arith.constant 0 : i32
        %sign3A_1135 = arith.cmpi slt, %add3A_1128, %sign3A_1134 : i32
        %sign3A_1136 = arith.extui %sign3A_1135 : i1 to i32
        %sign3A_1137 = arith.subi %sign3A_1133, %sign3A_1136 : i32
        %sign3A_1138 = arith.constant 0 : i32
        %sign3A_1139 = arith.cmpi sgt, %jit3A_1129, %sign3A_1138 : i32
        %sign3A_1140 = arith.extui %sign3A_1139 : i1 to i32
        %sign3A_1141 = arith.constant 0 : i32
        %sign3A_1142 = arith.cmpi slt, %jit3A_1129, %sign3A_1141 : i32
        %sign3A_1143 = arith.extui %sign3A_1142 : i1 to i32
        %sign3A_1144 = arith.subi %sign3A_1140, %sign3A_1143 : i32
        %ne3A_1145 = arith.cmpi ne, %sign3A_1137, %sign3A_1144 : i32
        %rem3A_1146 = arith.remsi %add3A_1128, %jit3A_1129 : i32
        %ne3A_1147 = arith.constant 0 : i32
        %ne3A_1148 = arith.cmpi ne, %rem3A_1146, %ne3A_1147 : i32
        %and3A_1149 = arith.andi %ne3A_1145, %ne3A_1148 : i1
        %sub3A_1150 = arith.constant 1 : i32
        %sub3A_1151 = arith.subi %div3A_1130, %sub3A_1150 : i32
        %select_n3A_1152 = arith.select %and3A_1149, %sub3A_1151, %div3A_1130 : i32
        %jit3A_1153 = arith.constant 4096 : i32
        %eq3A_1154 = arith.constant 0 : i32
        %eq3A_1155 = arith.cmpi eq, %jit3A_1153, %eq3A_1154 : i32
        %jit3A_1156 = arith.constant 1 : i32
        %select_n3A_1157 = arith.select %eq3A_1155, %jit3A_1156, %jit3A_1153 : i32
        %rem3A_1158 = arith.remsi %add3A_1128, %select_n3A_1157 : i32
        %ne3A_1159 = arith.constant 0 : i32
        %ne3A_1160 = arith.cmpi ne, %rem3A_1158, %ne3A_1159 : i32
        %lt3A_1161 = arith.constant 0 : i32
        %lt3A_1162 = arith.cmpi slt, %rem3A_1158, %lt3A_1161 : i32
        %lt3A_1163 = arith.constant 0 : i32
        %lt3A_1164 = arith.cmpi slt, %select_n3A_1157, %lt3A_1163 : i32
        %ne3A_1165 = arith.xori %lt3A_1162, %lt3A_1164 : i1
        %and3A_1166 = arith.andi %ne3A_1165, %ne3A_1160 : i1
        %add3A_1167 = arith.addi %rem3A_1158, %select_n3A_1157 : i32
        %select_n3A_1168 = arith.select %and3A_1166, %add3A_1167, %rem3A_1158 : i32
        %dma_wait3A_1169 = arith.constant 6 : i32
        %dma_wait3A_1170 = arith.constant 0 : i32
        %dma_wait3A_1171 = arith.constant 0 : i32
        %dma_wait3A_1172 = tpu.memref_slice %arg6[%dma_wait3A_1169, %dma_wait3A_1170, %dma_wait3A_1171] : memref<7x128x128xf32, #tpu.memory_space<vmem>> -> memref<1x128x128xf32, #tpu.memory_space<vmem>>
        %dma_wait3A_1173 = tpu.memref_squeeze %dma_wait3A_1172 : memref<1x128x128xf32, #tpu.memory_space<vmem>> -> memref<128x128xf32, #tpu.memory_space<vmem>>
        %dma_wait3A_1174 = arith.constant 0 : i32
        %dma_wait3A_1175 = tpu.memref_slice %arg4[%select_n3A_1152, %select_n3A_1168, %dma_wait3A_1174] : memref<50x4096x128xf32, #tpu.memory_space<hbm>> -> memref<1x128x128xf32, #tpu.memory_space<hbm>>
        %dma_wait3A_1176 = tpu.memref_squeeze %dma_wait3A_1175 : memref<1x128x128xf32, #tpu.memory_space<hbm>> -> memref<128x128xf32, #tpu.memory_space<hbm>>
        %dma_wait3A_1177 = arith.constant 0 : i32
        %dma_wait3A_1178 = tpu.memref_slice %arg4[%select_n3A_1152, %select_n3A_1168, %dma_wait3A_1177] : memref<50x4096x128xf32, #tpu.memory_space<hbm>> -> memref<1x128x128xf32, #tpu.memory_space<hbm>>
        %dma_wait3A_1179 = tpu.memref_squeeze %dma_wait3A_1178 : memref<1x128x128xf32, #tpu.memory_space<hbm>> -> memref<128x128xf32, #tpu.memory_space<hbm>>
        %dma_wait3A_1180 = arith.constant 0 : i32
        %dma_wait3A_1181 = arith.constant 0 : i32
        %dma_wait3A_1182 = tpu.memref_slice %arg6[%dma_wait3A_1169, %dma_wait3A_1180, %dma_wait3A_1181] : memref<7x128x128xf32, #tpu.memory_space<vmem>> -> memref<1x128x128xf32, #tpu.memory_space<vmem>>
        %dma_wait3A_1183 = tpu.memref_squeeze %dma_wait3A_1182 : memref<1x128x128xf32, #tpu.memory_space<vmem>> -> memref<128x128xf32, #tpu.memory_space<vmem>>
        tpu.wait_dma2 semaphore(%arg20 : memref<!tpu.dma_semaphore, #tpu.memory_space<semaphore_mem>>) src(%dma_wait3A_1183 : memref<128x128xf32, #tpu.memory_space<vmem>>) dst(%dma_wait3A_1179 : memref<128x128xf32, #tpu.memory_space<hbm>>)
        %add3A_1184 = arith.constant 7 : i32
        %add3A_1185 = arith.addi %add3A_1045, %add3A_1184 : i32
        %dma_start3A_1186 = arith.constant 6 : i32
        %dma_start3A_1187 = arith.constant 0 : i32
        %dma_start3A_1188 = arith.constant 0 : i32
        %dma_start3A_1189 = tpu.memref_slice %arg6[%dma_start3A_1186, %dma_start3A_1187, %dma_start3A_1188] : memref<7x128x128xf32, #tpu.memory_space<vmem>> -> memref<1x128x128xf32, #tpu.memory_space<vmem>>
        %dma_start3A_1190 = tpu.memref_squeeze %dma_start3A_1189 : memref<1x128x128xf32, #tpu.memory_space<vmem>> -> memref<128x128xf32, #tpu.memory_space<vmem>>
        %dma_start3A_1191 = arith.constant 0 : i32
        %dma_start3A_1192 = tpu.memref_slice %arg5[%add3A_1185, %dma_start3A_1191] : memref<50x128xi32, #tpu.memory_space<vmem>> -> memref<1x128xi32, #tpu.memory_space<vmem>>
        %dma_start3A_1193 = tpu.memref_squeeze %dma_start3A_1192 : memref<1x128xi32, #tpu.memory_space<vmem>> -> memref<128xi32, #tpu.memory_space<vmem>>
        %dma_start3A_1194 = arith.constant 0 : i32
        %dma_start3A_1195 = arith.constant 0 : i32
        %dma_start3A_1196 = tpu.memref_slice %arg2[%dma_start3A_1194, %dma_start3A_1195] : memref<100000x128xf32, #tpu.memory_space<hbm>> -> memref<100000x128xf32, #tpu.memory_space<hbm>>
        tpu.enqueue_indirect_dma source(%dma_start3A_1196 : memref<100000x128xf32, #tpu.memory_space<hbm>>) target(%dma_start3A_1190 : memref<128x128xf32, #tpu.memory_space<vmem>>) offsets(%dma_start3A_1193 : memref<128xi32, #tpu.memory_space<vmem>>) semaphore(%arg13 : memref<!tpu.dma_semaphore, #tpu.memory_space<semaphore_mem>>)
      } else {
      }
    }
    %scan3A_87 = arith.constant 7 : i32
    %dma_wait3A = arith.constant 49 : i32
    %dma_wait3A_88 = arith.constant 0 : i32
    %dma_wait3A_89 = arith.constant 0 : i32
    %dma_wait3A_90 = arith.constant 0 : i32
    %dma_wait3A_91 = tpu.memref_slice %arg6[%dma_wait3A_88, %dma_wait3A_89, %dma_wait3A_90] : memref<7x128x128xf32, #tpu.memory_space<vmem>> -> memref<1x128x128xf32, #tpu.memory_space<vmem>>
    %dma_wait3A_92 = tpu.memref_squeeze %dma_wait3A_91 : memref<1x128x128xf32, #tpu.memory_space<vmem>> -> memref<128x128xf32, #tpu.memory_space<vmem>>
    %dma_wait3A_93 = arith.constant 0 : i32
    %dma_wait3A_94 = tpu.memref_slice %arg5[%dma_wait3A, %dma_wait3A_93] : memref<50x128xi32, #tpu.memory_space<vmem>> -> memref<1x128xi32, #tpu.memory_space<vmem>>
    %dma_wait3A_95 = tpu.memref_squeeze %dma_wait3A_94 : memref<1x128xi32, #tpu.memory_space<vmem>> -> memref<128xi32, #tpu.memory_space<vmem>>
    %dma_wait3A_96 = arith.constant 0 : i32
    %dma_wait3A_97 = arith.constant 0 : i32
    %dma_wait3A_98 = tpu.memref_slice %arg2[%dma_wait3A_96, %dma_wait3A_97] : memref<100000x128xf32, #tpu.memory_space<hbm>> -> memref<100000x128xf32, #tpu.memory_space<hbm>>
    tpu.wait_indirect_dma semaphore(%arg7 : memref<!tpu.dma_semaphore, #tpu.memory_space<semaphore_mem>>) src(%dma_wait3A_98 : memref<100000x128xf32, #tpu.memory_space<hbm>>) dst(%dma_wait3A_92 : memref<128x128xf32, #tpu.memory_space<vmem>>)
    %mul3A_99 = arith.constant 6400 : i32
    %mul3A_100 = arith.muli %add3A, %mul3A_99 : i32
    %add3A_101 = arith.constant 6272 : i32
    %add3A_102 = arith.addi %mul3A_100, %add3A_101 : i32
    %jit3A = arith.constant 4096 : i32
    %div3A = arith.divsi %add3A_102, %jit3A : i32
    %sign3A = arith.constant 0 : i32
    %sign3A_103 = arith.cmpi sgt, %add3A_102, %sign3A : i32
    %sign3A_104 = arith.extui %sign3A_103 : i1 to i32
    %sign3A_105 = arith.constant 0 : i32
    %sign3A_106 = arith.cmpi slt, %add3A_102, %sign3A_105 : i32
    %sign3A_107 = arith.extui %sign3A_106 : i1 to i32
    %sign3A_108 = arith.subi %sign3A_104, %sign3A_107 : i32
    %sign3A_109 = arith.constant 0 : i32
    %sign3A_110 = arith.cmpi sgt, %jit3A, %sign3A_109 : i32
    %sign3A_111 = arith.extui %sign3A_110 : i1 to i32
    %sign3A_112 = arith.constant 0 : i32
    %sign3A_113 = arith.cmpi slt, %jit3A, %sign3A_112 : i32
    %sign3A_114 = arith.extui %sign3A_113 : i1 to i32
    %sign3A_115 = arith.subi %sign3A_111, %sign3A_114 : i32
    %ne3A = arith.cmpi ne, %sign3A_108, %sign3A_115 : i32
    %rem3A = arith.remsi %add3A_102, %jit3A : i32
    %ne3A_116 = arith.constant 0 : i32
    %ne3A_117 = arith.cmpi ne, %rem3A, %ne3A_116 : i32
    %and3A = arith.andi %ne3A, %ne3A_117 : i1
    %sub3A = arith.constant 1 : i32
    %sub3A_118 = arith.subi %div3A, %sub3A : i32
    %select_n3A = arith.select %and3A, %sub3A_118, %div3A : i32
    %jit3A_119 = arith.constant 4096 : i32
    %eq3A = arith.constant 0 : i32
    %eq3A_120 = arith.cmpi eq, %jit3A_119, %eq3A : i32
    %jit3A_121 = arith.constant 1 : i32
    %select_n3A_122 = arith.select %eq3A_120, %jit3A_121, %jit3A_119 : i32
    %rem3A_123 = arith.remsi %add3A_102, %select_n3A_122 : i32
    %ne3A_124 = arith.constant 0 : i32
    %ne3A_125 = arith.cmpi ne, %rem3A_123, %ne3A_124 : i32
    %lt3A = arith.constant 0 : i32
    %lt3A_126 = arith.cmpi slt, %rem3A_123, %lt3A : i32
    %lt3A_127 = arith.constant 0 : i32
    %lt3A_128 = arith.cmpi slt, %select_n3A_122, %lt3A_127 : i32
    %ne3A_129 = arith.xori %lt3A_126, %lt3A_128 : i1
    %and3A_130 = arith.andi %ne3A_129, %ne3A_125 : i1
    %add3A_131 = arith.addi %rem3A_123, %select_n3A_122 : i32
    %select_n3A_132 = arith.select %and3A_130, %add3A_131, %rem3A_123 : i32
    %dma_start3A_133 = arith.constant 0 : i32
    %dma_start3A_134 = arith.constant 0 : i32
    %dma_start3A_135 = arith.constant 0 : i32
    %dma_start3A_136 = tpu.memref_slice %arg6[%dma_start3A_133, %dma_start3A_134, %dma_start3A_135] : memref<7x128x128xf32, #tpu.memory_space<vmem>> -> memref<1x128x128xf32, #tpu.memory_space<vmem>>
    %dma_start3A_137 = tpu.memref_squeeze %dma_start3A_136 : memref<1x128x128xf32, #tpu.memory_space<vmem>> -> memref<128x128xf32, #tpu.memory_space<vmem>>
    %dma_start3A_138 = arith.constant 0 : i32
    %dma_start3A_139 = tpu.memref_slice %arg4[%select_n3A, %select_n3A_132, %dma_start3A_138] : memref<50x4096x128xf32, #tpu.memory_space<hbm>> -> memref<1x128x128xf32, #tpu.memory_space<hbm>>
    %dma_start3A_140 = tpu.memref_squeeze %dma_start3A_139 : memref<1x128x128xf32, #tpu.memory_space<hbm>> -> memref<128x128xf32, #tpu.memory_space<hbm>>
    %dma_start3A_141 = arith.constant 0 : i32
    %dma_start3A_142 = tpu.memref_slice %arg4[%select_n3A, %select_n3A_132, %dma_start3A_141] : memref<50x4096x128xf32, #tpu.memory_space<hbm>> -> memref<1x128x128xf32, #tpu.memory_space<hbm>>
    %dma_start3A_143 = tpu.memref_squeeze %dma_start3A_142 : memref<1x128x128xf32, #tpu.memory_space<hbm>> -> memref<128x128xf32, #tpu.memory_space<hbm>>
    %dma_start3A_144 = arith.constant 0 : i32
    %dma_start3A_145 = arith.constant 0 : i32
    %dma_start3A_146 = tpu.memref_slice %arg6[%dma_start3A_133, %dma_start3A_144, %dma_start3A_145] : memref<7x128x128xf32, #tpu.memory_space<vmem>> -> memref<1x128x128xf32, #tpu.memory_space<vmem>>
    %dma_start3A_147 = tpu.memref_squeeze %dma_start3A_146 : memref<1x128x128xf32, #tpu.memory_space<vmem>> -> memref<128x128xf32, #tpu.memory_space<vmem>>
    tpu.enqueue_dma source(%dma_start3A_147 : memref<128x128xf32, #tpu.memory_space<vmem>>) target(%dma_start3A_143 : memref<128x128xf32, #tpu.memory_space<hbm>>) target_semaphore(%arg14 : memref<!tpu.dma_semaphore, #tpu.memory_space<semaphore_mem>>)
    %mul3A_148 = arith.constant 6400 : i32
    %mul3A_149 = arith.muli %add3A, %mul3A_148 : i32
    %add3A_150 = arith.constant 0 : i32
    %add3A_151 = arith.addi %mul3A_149, %add3A_150 : i32
    %jit3A_152 = arith.constant 4096 : i32
    %div3A_153 = arith.divsi %add3A_151, %jit3A_152 : i32
    %sign3A_154 = arith.constant 0 : i32
    %sign3A_155 = arith.cmpi sgt, %add3A_151, %sign3A_154 : i32
    %sign3A_156 = arith.extui %sign3A_155 : i1 to i32
    %sign3A_157 = arith.constant 0 : i32
    %sign3A_158 = arith.cmpi slt, %add3A_151, %sign3A_157 : i32
    %sign3A_159 = arith.extui %sign3A_158 : i1 to i32
    %sign3A_160 = arith.subi %sign3A_156, %sign3A_159 : i32
    %sign3A_161 = arith.constant 0 : i32
    %sign3A_162 = arith.cmpi sgt, %jit3A_152, %sign3A_161 : i32
    %sign3A_163 = arith.extui %sign3A_162 : i1 to i32
    %sign3A_164 = arith.constant 0 : i32
    %sign3A_165 = arith.cmpi slt, %jit3A_152, %sign3A_164 : i32
    %sign3A_166 = arith.extui %sign3A_165 : i1 to i32
    %sign3A_167 = arith.subi %sign3A_163, %sign3A_166 : i32
    %ne3A_168 = arith.cmpi ne, %sign3A_160, %sign3A_167 : i32
    %rem3A_169 = arith.remsi %add3A_151, %jit3A_152 : i32
    %ne3A_170 = arith.constant 0 : i32
    %ne3A_171 = arith.cmpi ne, %rem3A_169, %ne3A_170 : i32
    %and3A_172 = arith.andi %ne3A_168, %ne3A_171 : i1
    %sub3A_173 = arith.constant 1 : i32
    %sub3A_174 = arith.subi %div3A_153, %sub3A_173 : i32
    %select_n3A_175 = arith.select %and3A_172, %sub3A_174, %div3A_153 : i32
    %jit3A_176 = arith.constant 4096 : i32
    %eq3A_177 = arith.constant 0 : i32
    %eq3A_178 = arith.cmpi eq, %jit3A_176, %eq3A_177 : i32
    %jit3A_179 = arith.constant 1 : i32
    %select_n3A_180 = arith.select %eq3A_178, %jit3A_179, %jit3A_176 : i32
    %rem3A_181 = arith.remsi %add3A_151, %select_n3A_180 : i32
    %ne3A_182 = arith.constant 0 : i32
    %ne3A_183 = arith.cmpi ne, %rem3A_181, %ne3A_182 : i32
    %lt3A_184 = arith.constant 0 : i32
    %lt3A_185 = arith.cmpi slt, %rem3A_181, %lt3A_184 : i32
    %lt3A_186 = arith.constant 0 : i32
    %lt3A_187 = arith.cmpi slt, %select_n3A_180, %lt3A_186 : i32
    %ne3A_188 = arith.xori %lt3A_185, %lt3A_187 : i1
    %and3A_189 = arith.andi %ne3A_188, %ne3A_183 : i1
    %add3A_190 = arith.addi %rem3A_181, %select_n3A_180 : i32
    %select_n3A_191 = arith.select %and3A_189, %add3A_190, %rem3A_181 : i32
    %dma_wait3A_192 = arith.constant 0 : i32
    %dma_wait3A_193 = arith.constant 0 : i32
    %dma_wait3A_194 = arith.constant 0 : i32
    %dma_wait3A_195 = tpu.memref_slice %arg6[%dma_wait3A_192, %dma_wait3A_193, %dma_wait3A_194] : memref<7x128x128xf32, #tpu.memory_space<vmem>> -> memref<1x128x128xf32, #tpu.memory_space<vmem>>
    %dma_wait3A_196 = tpu.memref_squeeze %dma_wait3A_195 : memref<1x128x128xf32, #tpu.memory_space<vmem>> -> memref<128x128xf32, #tpu.memory_space<vmem>>
    %dma_wait3A_197 = arith.constant 0 : i32
    %dma_wait3A_198 = tpu.memref_slice %arg4[%select_n3A_175, %select_n3A_191, %dma_wait3A_197] : memref<50x4096x128xf32, #tpu.memory_space<hbm>> -> memref<1x128x128xf32, #tpu.memory_space<hbm>>
    %dma_wait3A_199 = tpu.memref_squeeze %dma_wait3A_198 : memref<1x128x128xf32, #tpu.memory_space<hbm>> -> memref<128x128xf32, #tpu.memory_space<hbm>>
    %dma_wait3A_200 = arith.constant 0 : i32
    %dma_wait3A_201 = tpu.memref_slice %arg4[%select_n3A_175, %select_n3A_191, %dma_wait3A_200] : memref<50x4096x128xf32, #tpu.memory_space<hbm>> -> memref<1x128x128xf32, #tpu.memory_space<hbm>>
    %dma_wait3A_202 = tpu.memref_squeeze %dma_wait3A_201 : memref<1x128x128xf32, #tpu.memory_space<hbm>> -> memref<128x128xf32, #tpu.memory_space<hbm>>
    %dma_wait3A_203 = arith.constant 0 : i32
    %dma_wait3A_204 = arith.constant 0 : i32
    %dma_wait3A_205 = tpu.memref_slice %arg6[%dma_wait3A_192, %dma_wait3A_203, %dma_wait3A_204] : memref<7x128x128xf32, #tpu.memory_space<vmem>> -> memref<1x128x128xf32, #tpu.memory_space<vmem>>
    %dma_wait3A_206 = tpu.memref_squeeze %dma_wait3A_205 : memref<1x128x128xf32, #tpu.memory_space<vmem>> -> memref<128x128xf32, #tpu.memory_space<vmem>>
    tpu.wait_dma2 semaphore(%arg14 : memref<!tpu.dma_semaphore, #tpu.memory_space<semaphore_mem>>) src(%dma_wait3A_206 : memref<128x128xf32, #tpu.memory_space<vmem>>) dst(%dma_wait3A_202 : memref<128x128xf32, #tpu.memory_space<hbm>>)
    %mul3A_207 = arith.constant 6400 : i32
    %mul3A_208 = arith.muli %add3A, %mul3A_207 : i32
    %add3A_209 = arith.constant 0 : i32
    %add3A_210 = arith.addi %mul3A_208, %add3A_209 : i32
    %jit3A_211 = arith.constant 4096 : i32
    %div3A_212 = arith.divsi %add3A_210, %jit3A_211 : i32
    %sign3A_213 = arith.constant 0 : i32
    %sign3A_214 = arith.cmpi sgt, %add3A_210, %sign3A_213 : i32
    %sign3A_215 = arith.extui %sign3A_214 : i1 to i32
    %sign3A_216 = arith.constant 0 : i32
    %sign3A_217 = arith.cmpi slt, %add3A_210, %sign3A_216 : i32
    %sign3A_218 = arith.extui %sign3A_217 : i1 to i32
    %sign3A_219 = arith.subi %sign3A_215, %sign3A_218 : i32
    %sign3A_220 = arith.constant 0 : i32
    %sign3A_221 = arith.cmpi sgt, %jit3A_211, %sign3A_220 : i32
    %sign3A_222 = arith.extui %sign3A_221 : i1 to i32
    %sign3A_223 = arith.constant 0 : i32
    %sign3A_224 = arith.cmpi slt, %jit3A_211, %sign3A_223 : i32
    %sign3A_225 = arith.extui %sign3A_224 : i1 to i32
    %sign3A_226 = arith.subi %sign3A_222, %sign3A_225 : i32
    %ne3A_227 = arith.cmpi ne, %sign3A_219, %sign3A_226 : i32
    %rem3A_228 = arith.remsi %add3A_210, %jit3A_211 : i32
    %ne3A_229 = arith.constant 0 : i32
    %ne3A_230 = arith.cmpi ne, %rem3A_228, %ne3A_229 : i32
    %and3A_231 = arith.andi %ne3A_227, %ne3A_230 : i1
    %sub3A_232 = arith.constant 1 : i32
    %sub3A_233 = arith.subi %div3A_212, %sub3A_232 : i32
    %select_n3A_234 = arith.select %and3A_231, %sub3A_233, %div3A_212 : i32
    %jit3A_235 = arith.constant 4096 : i32
    %eq3A_236 = arith.constant 0 : i32
    %eq3A_237 = arith.cmpi eq, %jit3A_235, %eq3A_236 : i32
    %jit3A_238 = arith.constant 1 : i32
    %select_n3A_239 = arith.select %eq3A_237, %jit3A_238, %jit3A_235 : i32
    %rem3A_240 = arith.remsi %add3A_210, %select_n3A_239 : i32
    %ne3A_241 = arith.constant 0 : i32
    %ne3A_242 = arith.cmpi ne, %rem3A_240, %ne3A_241 : i32
    %lt3A_243 = arith.constant 0 : i32
    %lt3A_244 = arith.cmpi slt, %rem3A_240, %lt3A_243 : i32
    %lt3A_245 = arith.constant 0 : i32
    %lt3A_246 = arith.cmpi slt, %select_n3A_239, %lt3A_245 : i32
    %ne3A_247 = arith.xori %lt3A_244, %lt3A_246 : i1
    %and3A_248 = arith.andi %ne3A_247, %ne3A_242 : i1
    %add3A_249 = arith.addi %rem3A_240, %select_n3A_239 : i32
    %select_n3A_250 = arith.select %and3A_248, %add3A_249, %rem3A_240 : i32
    %dma_wait3A_251 = arith.constant 1 : i32
    %dma_wait3A_252 = arith.constant 0 : i32
    %dma_wait3A_253 = arith.constant 0 : i32
    %dma_wait3A_254 = tpu.memref_slice %arg6[%dma_wait3A_251, %dma_wait3A_252, %dma_wait3A_253] : memref<7x128x128xf32, #tpu.memory_space<vmem>> -> memref<1x128x128xf32, #tpu.memory_space<vmem>>
    %dma_wait3A_255 = tpu.memref_squeeze %dma_wait3A_254 : memref<1x128x128xf32, #tpu.memory_space<vmem>> -> memref<128x128xf32, #tpu.memory_space<vmem>>
    %dma_wait3A_256 = arith.constant 0 : i32
    %dma_wait3A_257 = tpu.memref_slice %arg4[%select_n3A_234, %select_n3A_250, %dma_wait3A_256] : memref<50x4096x128xf32, #tpu.memory_space<hbm>> -> memref<1x128x128xf32, #tpu.memory_space<hbm>>
    %dma_wait3A_258 = tpu.memref_squeeze %dma_wait3A_257 : memref<1x128x128xf32, #tpu.memory_space<hbm>> -> memref<128x128xf32, #tpu.memory_space<hbm>>
    %dma_wait3A_259 = arith.constant 0 : i32
    %dma_wait3A_260 = tpu.memref_slice %arg4[%select_n3A_234, %select_n3A_250, %dma_wait3A_259] : memref<50x4096x128xf32, #tpu.memory_space<hbm>> -> memref<1x128x128xf32, #tpu.memory_space<hbm>>
    %dma_wait3A_261 = tpu.memref_squeeze %dma_wait3A_260 : memref<1x128x128xf32, #tpu.memory_space<hbm>> -> memref<128x128xf32, #tpu.memory_space<hbm>>
    %dma_wait3A_262 = arith.constant 0 : i32
    %dma_wait3A_263 = arith.constant 0 : i32
    %dma_wait3A_264 = tpu.memref_slice %arg6[%dma_wait3A_251, %dma_wait3A_262, %dma_wait3A_263] : memref<7x128x128xf32, #tpu.memory_space<vmem>> -> memref<1x128x128xf32, #tpu.memory_space<vmem>>
    %dma_wait3A_265 = tpu.memref_squeeze %dma_wait3A_264 : memref<1x128x128xf32, #tpu.memory_space<vmem>> -> memref<128x128xf32, #tpu.memory_space<vmem>>
    tpu.wait_dma2 semaphore(%arg15 : memref<!tpu.dma_semaphore, #tpu.memory_space<semaphore_mem>>) src(%dma_wait3A_265 : memref<128x128xf32, #tpu.memory_space<vmem>>) dst(%dma_wait3A_261 : memref<128x128xf32, #tpu.memory_space<hbm>>)
    %mul3A_266 = arith.constant 6400 : i32
    %mul3A_267 = arith.muli %add3A, %mul3A_266 : i32
    %add3A_268 = arith.constant 0 : i32
    %add3A_269 = arith.addi %mul3A_267, %add3A_268 : i32
    %jit3A_270 = arith.constant 4096 : i32
    %div3A_271 = arith.divsi %add3A_269, %jit3A_270 : i32
    %sign3A_272 = arith.constant 0 : i32
    %sign3A_273 = arith.cmpi sgt, %add3A_269, %sign3A_272 : i32
    %sign3A_274 = arith.extui %sign3A_273 : i1 to i32
    %sign3A_275 = arith.constant 0 : i32
    %sign3A_276 = arith.cmpi slt, %add3A_269, %sign3A_275 : i32
    %sign3A_277 = arith.extui %sign3A_276 : i1 to i32
    %sign3A_278 = arith.subi %sign3A_274, %sign3A_277 : i32
    %sign3A_279 = arith.constant 0 : i32
    %sign3A_280 = arith.cmpi sgt, %jit3A_270, %sign3A_279 : i32
    %sign3A_281 = arith.extui %sign3A_280 : i1 to i32
    %sign3A_282 = arith.constant 0 : i32
    %sign3A_283 = arith.cmpi slt, %jit3A_270, %sign3A_282 : i32
    %sign3A_284 = arith.extui %sign3A_283 : i1 to i32
    %sign3A_285 = arith.subi %sign3A_281, %sign3A_284 : i32
    %ne3A_286 = arith.cmpi ne, %sign3A_278, %sign3A_285 : i32
    %rem3A_287 = arith.remsi %add3A_269, %jit3A_270 : i32
    %ne3A_288 = arith.constant 0 : i32
    %ne3A_289 = arith.cmpi ne, %rem3A_287, %ne3A_288 : i32
    %and3A_290 = arith.andi %ne3A_286, %ne3A_289 : i1
    %sub3A_291 = arith.constant 1 : i32
    %sub3A_292 = arith.subi %div3A_271, %sub3A_291 : i32
    %select_n3A_293 = arith.select %and3A_290, %sub3A_292, %div3A_271 : i32
    %jit3A_294 = arith.constant 4096 : i32
    %eq3A_295 = arith.constant 0 : i32
    %eq3A_296 = arith.cmpi eq, %jit3A_294, %eq3A_295 : i32
    %jit3A_297 = arith.constant 1 : i32
    %select_n3A_298 = arith.select %eq3A_296, %jit3A_297, %jit3A_294 : i32
    %rem3A_299 = arith.remsi %add3A_269, %select_n3A_298 : i32
    %ne3A_300 = arith.constant 0 : i32
    %ne3A_301 = arith.cmpi ne, %rem3A_299, %ne3A_300 : i32
    %lt3A_302 = arith.constant 0 : i32
    %lt3A_303 = arith.cmpi slt, %rem3A_299, %lt3A_302 : i32
    %lt3A_304 = arith.constant 0 : i32
    %lt3A_305 = arith.cmpi slt, %select_n3A_298, %lt3A_304 : i32
    %ne3A_306 = arith.xori %lt3A_303, %lt3A_305 : i1
    %and3A_307 = arith.andi %ne3A_306, %ne3A_301 : i1
    %add3A_308 = arith.addi %rem3A_299, %select_n3A_298 : i32
    %select_n3A_309 = arith.select %and3A_307, %add3A_308, %rem3A_299 : i32
    %dma_wait3A_310 = arith.constant 2 : i32
    %dma_wait3A_311 = arith.constant 0 : i32
    %dma_wait3A_312 = arith.constant 0 : i32
    %dma_wait3A_313 = tpu.memref_slice %arg6[%dma_wait3A_310, %dma_wait3A_311, %dma_wait3A_312] : memref<7x128x128xf32, #tpu.memory_space<vmem>> -> memref<1x128x128xf32, #tpu.memory_space<vmem>>
    %dma_wait3A_314 = tpu.memref_squeeze %dma_wait3A_313 : memref<1x128x128xf32, #tpu.memory_space<vmem>> -> memref<128x128xf32, #tpu.memory_space<vmem>>
    %dma_wait3A_315 = arith.constant 0 : i32
    %dma_wait3A_316 = tpu.memref_slice %arg4[%select_n3A_293, %select_n3A_309, %dma_wait3A_315] : memref<50x4096x128xf32, #tpu.memory_space<hbm>> -> memref<1x128x128xf32, #tpu.memory_space<hbm>>
    %dma_wait3A_317 = tpu.memref_squeeze %dma_wait3A_316 : memref<1x128x128xf32, #tpu.memory_space<hbm>> -> memref<128x128xf32, #tpu.memory_space<hbm>>
    %dma_wait3A_318 = arith.constant 0 : i32
    %dma_wait3A_319 = tpu.memref_slice %arg4[%select_n3A_293, %select_n3A_309, %dma_wait3A_318] : memref<50x4096x128xf32, #tpu.memory_space<hbm>> -> memref<1x128x128xf32, #tpu.memory_space<hbm>>
    %dma_wait3A_320 = tpu.memref_squeeze %dma_wait3A_319 : memref<1x128x128xf32, #tpu.memory_space<hbm>> -> memref<128x128xf32, #tpu.memory_space<hbm>>
    %dma_wait3A_321 = arith.constant 0 : i32
    %dma_wait3A_322 = arith.constant 0 : i32
    %dma_wait3A_323 = tpu.memref_slice %arg6[%dma_wait3A_310, %dma_wait3A_321, %dma_wait3A_322] : memref<7x128x128xf32, #tpu.memory_space<vmem>> -> memref<1x128x128xf32, #tpu.memory_space<vmem>>
    %dma_wait3A_324 = tpu.memref_squeeze %dma_wait3A_323 : memref<1x128x128xf32, #tpu.memory_space<vmem>> -> memref<128x128xf32, #tpu.memory_space<vmem>>
    tpu.wait_dma2 semaphore(%arg16 : memref<!tpu.dma_semaphore, #tpu.memory_space<semaphore_mem>>) src(%dma_wait3A_324 : memref<128x128xf32, #tpu.memory_space<vmem>>) dst(%dma_wait3A_320 : memref<128x128xf32, #tpu.memory_space<hbm>>)
    %mul3A_325 = arith.constant 6400 : i32
    %mul3A_326 = arith.muli %add3A, %mul3A_325 : i32
    %add3A_327 = arith.constant 0 : i32
    %add3A_328 = arith.addi %mul3A_326, %add3A_327 : i32
    %jit3A_329 = arith.constant 4096 : i32
    %div3A_330 = arith.divsi %add3A_328, %jit3A_329 : i32
    %sign3A_331 = arith.constant 0 : i32
    %sign3A_332 = arith.cmpi sgt, %add3A_328, %sign3A_331 : i32
    %sign3A_333 = arith.extui %sign3A_332 : i1 to i32
    %sign3A_334 = arith.constant 0 : i32
    %sign3A_335 = arith.cmpi slt, %add3A_328, %sign3A_334 : i32
    %sign3A_336 = arith.extui %sign3A_335 : i1 to i32
    %sign3A_337 = arith.subi %sign3A_333, %sign3A_336 : i32
    %sign3A_338 = arith.constant 0 : i32
    %sign3A_339 = arith.cmpi sgt, %jit3A_329, %sign3A_338 : i32
    %sign3A_340 = arith.extui %sign3A_339 : i1 to i32
    %sign3A_341 = arith.constant 0 : i32
    %sign3A_342 = arith.cmpi slt, %jit3A_329, %sign3A_341 : i32
    %sign3A_343 = arith.extui %sign3A_342 : i1 to i32
    %sign3A_344 = arith.subi %sign3A_340, %sign3A_343 : i32
    %ne3A_345 = arith.cmpi ne, %sign3A_337, %sign3A_344 : i32
    %rem3A_346 = arith.remsi %add3A_328, %jit3A_329 : i32
    %ne3A_347 = arith.constant 0 : i32
    %ne3A_348 = arith.cmpi ne, %rem3A_346, %ne3A_347 : i32
    %and3A_349 = arith.andi %ne3A_345, %ne3A_348 : i1
    %sub3A_350 = arith.constant 1 : i32
    %sub3A_351 = arith.subi %div3A_330, %sub3A_350 : i32
    %select_n3A_352 = arith.select %and3A_349, %sub3A_351, %div3A_330 : i32
    %jit3A_353 = arith.constant 4096 : i32
    %eq3A_354 = arith.constant 0 : i32
    %eq3A_355 = arith.cmpi eq, %jit3A_353, %eq3A_354 : i32
    %jit3A_356 = arith.constant 1 : i32
    %select_n3A_357 = arith.select %eq3A_355, %jit3A_356, %jit3A_353 : i32
    %rem3A_358 = arith.remsi %add3A_328, %select_n3A_357 : i32
    %ne3A_359 = arith.constant 0 : i32
    %ne3A_360 = arith.cmpi ne, %rem3A_358, %ne3A_359 : i32
    %lt3A_361 = arith.constant 0 : i32
    %lt3A_362 = arith.cmpi slt, %rem3A_358, %lt3A_361 : i32
    %lt3A_363 = arith.constant 0 : i32
    %lt3A_364 = arith.cmpi slt, %select_n3A_357, %lt3A_363 : i32
    %ne3A_365 = arith.xori %lt3A_362, %lt3A_364 : i1
    %and3A_366 = arith.andi %ne3A_365, %ne3A_360 : i1
    %add3A_367 = arith.addi %rem3A_358, %select_n3A_357 : i32
    %select_n3A_368 = arith.select %and3A_366, %add3A_367, %rem3A_358 : i32
    %dma_wait3A_369 = arith.constant 3 : i32
    %dma_wait3A_370 = arith.constant 0 : i32
    %dma_wait3A_371 = arith.constant 0 : i32
    %dma_wait3A_372 = tpu.memref_slice %arg6[%dma_wait3A_369, %dma_wait3A_370, %dma_wait3A_371] : memref<7x128x128xf32, #tpu.memory_space<vmem>> -> memref<1x128x128xf32, #tpu.memory_space<vmem>>
    %dma_wait3A_373 = tpu.memref_squeeze %dma_wait3A_372 : memref<1x128x128xf32, #tpu.memory_space<vmem>> -> memref<128x128xf32, #tpu.memory_space<vmem>>
    %dma_wait3A_374 = arith.constant 0 : i32
    %dma_wait3A_375 = tpu.memref_slice %arg4[%select_n3A_352, %select_n3A_368, %dma_wait3A_374] : memref<50x4096x128xf32, #tpu.memory_space<hbm>> -> memref<1x128x128xf32, #tpu.memory_space<hbm>>
    %dma_wait3A_376 = tpu.memref_squeeze %dma_wait3A_375 : memref<1x128x128xf32, #tpu.memory_space<hbm>> -> memref<128x128xf32, #tpu.memory_space<hbm>>
    %dma_wait3A_377 = arith.constant 0 : i32
    %dma_wait3A_378 = tpu.memref_slice %arg4[%select_n3A_352, %select_n3A_368, %dma_wait3A_377] : memref<50x4096x128xf32, #tpu.memory_space<hbm>> -> memref<1x128x128xf32, #tpu.memory_space<hbm>>
    %dma_wait3A_379 = tpu.memref_squeeze %dma_wait3A_378 : memref<1x128x128xf32, #tpu.memory_space<hbm>> -> memref<128x128xf32, #tpu.memory_space<hbm>>
    %dma_wait3A_380 = arith.constant 0 : i32
    %dma_wait3A_381 = arith.constant 0 : i32
    %dma_wait3A_382 = tpu.memref_slice %arg6[%dma_wait3A_369, %dma_wait3A_380, %dma_wait3A_381] : memref<7x128x128xf32, #tpu.memory_space<vmem>> -> memref<1x128x128xf32, #tpu.memory_space<vmem>>
    %dma_wait3A_383 = tpu.memref_squeeze %dma_wait3A_382 : memref<1x128x128xf32, #tpu.memory_space<vmem>> -> memref<128x128xf32, #tpu.memory_space<vmem>>
    tpu.wait_dma2 semaphore(%arg17 : memref<!tpu.dma_semaphore, #tpu.memory_space<semaphore_mem>>) src(%dma_wait3A_383 : memref<128x128xf32, #tpu.memory_space<vmem>>) dst(%dma_wait3A_379 : memref<128x128xf32, #tpu.memory_space<hbm>>)
    %mul3A_384 = arith.constant 6400 : i32
    %mul3A_385 = arith.muli %add3A, %mul3A_384 : i32
    %add3A_386 = arith.constant 0 : i32
    %add3A_387 = arith.addi %mul3A_385, %add3A_386 : i32
    %jit3A_388 = arith.constant 4096 : i32
    %div3A_389 = arith.divsi %add3A_387, %jit3A_388 : i32
    %sign3A_390 = arith.constant 0 : i32
    %sign3A_391 = arith.cmpi sgt, %add3A_387, %sign3A_390 : i32
    %sign3A_392 = arith.extui %sign3A_391 : i1 to i32
    %sign3A_393 = arith.constant 0 : i32
    %sign3A_394 = arith.cmpi slt, %add3A_387, %sign3A_393 : i32
    %sign3A_395 = arith.extui %sign3A_394 : i1 to i32
    %sign3A_396 = arith.subi %sign3A_392, %sign3A_395 : i32
    %sign3A_397 = arith.constant 0 : i32
    %sign3A_398 = arith.cmpi sgt, %jit3A_388, %sign3A_397 : i32
    %sign3A_399 = arith.extui %sign3A_398 : i1 to i32
    %sign3A_400 = arith.constant 0 : i32
    %sign3A_401 = arith.cmpi slt, %jit3A_388, %sign3A_400 : i32
    %sign3A_402 = arith.extui %sign3A_401 : i1 to i32
    %sign3A_403 = arith.subi %sign3A_399, %sign3A_402 : i32
    %ne3A_404 = arith.cmpi ne, %sign3A_396, %sign3A_403 : i32
    %rem3A_405 = arith.remsi %add3A_387, %jit3A_388 : i32
    %ne3A_406 = arith.constant 0 : i32
    %ne3A_407 = arith.cmpi ne, %rem3A_405, %ne3A_406 : i32
    %and3A_408 = arith.andi %ne3A_404, %ne3A_407 : i1
    %sub3A_409 = arith.constant 1 : i32
    %sub3A_410 = arith.subi %div3A_389, %sub3A_409 : i32
    %select_n3A_411 = arith.select %and3A_408, %sub3A_410, %div3A_389 : i32
    %jit3A_412 = arith.constant 4096 : i32
    %eq3A_413 = arith.constant 0 : i32
    %eq3A_414 = arith.cmpi eq, %jit3A_412, %eq3A_413 : i32
    %jit3A_415 = arith.constant 1 : i32
    %select_n3A_416 = arith.select %eq3A_414, %jit3A_415, %jit3A_412 : i32
    %rem3A_417 = arith.remsi %add3A_387, %select_n3A_416 : i32
    %ne3A_418 = arith.constant 0 : i32
    %ne3A_419 = arith.cmpi ne, %rem3A_417, %ne3A_418 : i32
    %lt3A_420 = arith.constant 0 : i32
    %lt3A_421 = arith.cmpi slt, %rem3A_417, %lt3A_420 : i32
    %lt3A_422 = arith.constant 0 : i32
    %lt3A_423 = arith.cmpi slt, %select_n3A_416, %lt3A_422 : i32
    %ne3A_424 = arith.xori %lt3A_421, %lt3A_423 : i1
    %and3A_425 = arith.andi %ne3A_424, %ne3A_419 : i1
    %add3A_426 = arith.addi %rem3A_417, %select_n3A_416 : i32
    %select_n3A_427 = arith.select %and3A_425, %add3A_426, %rem3A_417 : i32
    %dma_wait3A_428 = arith.constant 4 : i32
    %dma_wait3A_429 = arith.constant 0 : i32
    %dma_wait3A_430 = arith.constant 0 : i32
    %dma_wait3A_431 = tpu.memref_slice %arg6[%dma_wait3A_428, %dma_wait3A_429, %dma_wait3A_430] : memref<7x128x128xf32, #tpu.memory_space<vmem>> -> memref<1x128x128xf32, #tpu.memory_space<vmem>>
    %dma_wait3A_432 = tpu.memref_squeeze %dma_wait3A_431 : memref<1x128x128xf32, #tpu.memory_space<vmem>> -> memref<128x128xf32, #tpu.memory_space<vmem>>
    %dma_wait3A_433 = arith.constant 0 : i32
    %dma_wait3A_434 = tpu.memref_slice %arg4[%select_n3A_411, %select_n3A_427, %dma_wait3A_433] : memref<50x4096x128xf32, #tpu.memory_space<hbm>> -> memref<1x128x128xf32, #tpu.memory_space<hbm>>
    %dma_wait3A_435 = tpu.memref_squeeze %dma_wait3A_434 : memref<1x128x128xf32, #tpu.memory_space<hbm>> -> memref<128x128xf32, #tpu.memory_space<hbm>>
    %dma_wait3A_436 = arith.constant 0 : i32
    %dma_wait3A_437 = tpu.memref_slice %arg4[%select_n3A_411, %select_n3A_427, %dma_wait3A_436] : memref<50x4096x128xf32, #tpu.memory_space<hbm>> -> memref<1x128x128xf32, #tpu.memory_space<hbm>>
    %dma_wait3A_438 = tpu.memref_squeeze %dma_wait3A_437 : memref<1x128x128xf32, #tpu.memory_space<hbm>> -> memref<128x128xf32, #tpu.memory_space<hbm>>
    %dma_wait3A_439 = arith.constant 0 : i32
    %dma_wait3A_440 = arith.constant 0 : i32
    %dma_wait3A_441 = tpu.memref_slice %arg6[%dma_wait3A_428, %dma_wait3A_439, %dma_wait3A_440] : memref<7x128x128xf32, #tpu.memory_space<vmem>> -> memref<1x128x128xf32, #tpu.memory_space<vmem>>
    %dma_wait3A_442 = tpu.memref_squeeze %dma_wait3A_441 : memref<1x128x128xf32, #tpu.memory_space<vmem>> -> memref<128x128xf32, #tpu.memory_space<vmem>>
    tpu.wait_dma2 semaphore(%arg18 : memref<!tpu.dma_semaphore, #tpu.memory_space<semaphore_mem>>) src(%dma_wait3A_442 : memref<128x128xf32, #tpu.memory_space<vmem>>) dst(%dma_wait3A_438 : memref<128x128xf32, #tpu.memory_space<hbm>>)
    %mul3A_443 = arith.constant 6400 : i32
    %mul3A_444 = arith.muli %add3A, %mul3A_443 : i32
    %add3A_445 = arith.constant 0 : i32
    %add3A_446 = arith.addi %mul3A_444, %add3A_445 : i32
    %jit3A_447 = arith.constant 4096 : i32
    %div3A_448 = arith.divsi %add3A_446, %jit3A_447 : i32
    %sign3A_449 = arith.constant 0 : i32
    %sign3A_450 = arith.cmpi sgt, %add3A_446, %sign3A_449 : i32
    %sign3A_451 = arith.extui %sign3A_450 : i1 to i32
    %sign3A_452 = arith.constant 0 : i32
    %sign3A_453 = arith.cmpi slt, %add3A_446, %sign3A_452 : i32
    %sign3A_454 = arith.extui %sign3A_453 : i1 to i32
    %sign3A_455 = arith.subi %sign3A_451, %sign3A_454 : i32
    %sign3A_456 = arith.constant 0 : i32
    %sign3A_457 = arith.cmpi sgt, %jit3A_447, %sign3A_456 : i32
    %sign3A_458 = arith.extui %sign3A_457 : i1 to i32
    %sign3A_459 = arith.constant 0 : i32
    %sign3A_460 = arith.cmpi slt, %jit3A_447, %sign3A_459 : i32
    %sign3A_461 = arith.extui %sign3A_460 : i1 to i32
    %sign3A_462 = arith.subi %sign3A_458, %sign3A_461 : i32
    %ne3A_463 = arith.cmpi ne, %sign3A_455, %sign3A_462 : i32
    %rem3A_464 = arith.remsi %add3A_446, %jit3A_447 : i32
    %ne3A_465 = arith.constant 0 : i32
    %ne3A_466 = arith.cmpi ne, %rem3A_464, %ne3A_465 : i32
    %and3A_467 = arith.andi %ne3A_463, %ne3A_466 : i1
    %sub3A_468 = arith.constant 1 : i32
    %sub3A_469 = arith.subi %div3A_448, %sub3A_468 : i32
    %select_n3A_470 = arith.select %and3A_467, %sub3A_469, %div3A_448 : i32
    %jit3A_471 = arith.constant 4096 : i32
    %eq3A_472 = arith.constant 0 : i32
    %eq3A_473 = arith.cmpi eq, %jit3A_471, %eq3A_472 : i32
    %jit3A_474 = arith.constant 1 : i32
    %select_n3A_475 = arith.select %eq3A_473, %jit3A_474, %jit3A_471 : i32
    %rem3A_476 = arith.remsi %add3A_446, %select_n3A_475 : i32
    %ne3A_477 = arith.constant 0 : i32
    %ne3A_478 = arith.cmpi ne, %rem3A_476, %ne3A_477 : i32
    %lt3A_479 = arith.constant 0 : i32
    %lt3A_480 = arith.cmpi slt, %rem3A_476, %lt3A_479 : i32
    %lt3A_481 = arith.constant 0 : i32
    %lt3A_482 = arith.cmpi slt, %select_n3A_475, %lt3A_481 : i32
    %ne3A_483 = arith.xori %lt3A_480, %lt3A_482 : i1
    %and3A_484 = arith.andi %ne3A_483, %ne3A_478 : i1
    %add3A_485 = arith.addi %rem3A_476, %select_n3A_475 : i32
    %select_n3A_486 = arith.select %and3A_484, %add3A_485, %rem3A_476 : i32
    %dma_wait3A_487 = arith.constant 5 : i32
    %dma_wait3A_488 = arith.constant 0 : i32
    %dma_wait3A_489 = arith.constant 0 : i32
    %dma_wait3A_490 = tpu.memref_slice %arg6[%dma_wait3A_487, %dma_wait3A_488, %dma_wait3A_489] : memref<7x128x128xf32, #tpu.memory_space<vmem>> -> memref<1x128x128xf32, #tpu.memory_space<vmem>>
    %dma_wait3A_491 = tpu.memref_squeeze %dma_wait3A_490 : memref<1x128x128xf32, #tpu.memory_space<vmem>> -> memref<128x128xf32, #tpu.memory_space<vmem>>
    %dma_wait3A_492 = arith.constant 0 : i32
    %dma_wait3A_493 = tpu.memref_slice %arg4[%select_n3A_470, %select_n3A_486, %dma_wait3A_492] : memref<50x4096x128xf32, #tpu.memory_space<hbm>> -> memref<1x128x128xf32, #tpu.memory_space<hbm>>
    %dma_wait3A_494 = tpu.memref_squeeze %dma_wait3A_493 : memref<1x128x128xf32, #tpu.memory_space<hbm>> -> memref<128x128xf32, #tpu.memory_space<hbm>>
    %dma_wait3A_495 = arith.constant 0 : i32
    %dma_wait3A_496 = tpu.memref_slice %arg4[%select_n3A_470, %select_n3A_486, %dma_wait3A_495] : memref<50x4096x128xf32, #tpu.memory_space<hbm>> -> memref<1x128x128xf32, #tpu.memory_space<hbm>>
    %dma_wait3A_497 = tpu.memref_squeeze %dma_wait3A_496 : memref<1x128x128xf32, #tpu.memory_space<hbm>> -> memref<128x128xf32, #tpu.memory_space<hbm>>
    %dma_wait3A_498 = arith.constant 0 : i32
    %dma_wait3A_499 = arith.constant 0 : i32
    %dma_wait3A_500 = tpu.memref_slice %arg6[%dma_wait3A_487, %dma_wait3A_498, %dma_wait3A_499] : memref<7x128x128xf32, #tpu.memory_space<vmem>> -> memref<1x128x128xf32, #tpu.memory_space<vmem>>
    %dma_wait3A_501 = tpu.memref_squeeze %dma_wait3A_500 : memref<1x128x128xf32, #tpu.memory_space<vmem>> -> memref<128x128xf32, #tpu.memory_space<vmem>>
    tpu.wait_dma2 semaphore(%arg19 : memref<!tpu.dma_semaphore, #tpu.memory_space<semaphore_mem>>) src(%dma_wait3A_501 : memref<128x128xf32, #tpu.memory_space<vmem>>) dst(%dma_wait3A_497 : memref<128x128xf32, #tpu.memory_space<hbm>>)
    %mul3A_502 = arith.constant 6400 : i32
    %mul3A_503 = arith.muli %add3A, %mul3A_502 : i32
    %add3A_504 = arith.constant 0 : i32
    %add3A_505 = arith.addi %mul3A_503, %add3A_504 : i32
    %jit3A_506 = arith.constant 4096 : i32
    %div3A_507 = arith.divsi %add3A_505, %jit3A_506 : i32
    %sign3A_508 = arith.constant 0 : i32
    %sign3A_509 = arith.cmpi sgt, %add3A_505, %sign3A_508 : i32
    %sign3A_510 = arith.extui %sign3A_509 : i1 to i32
    %sign3A_511 = arith.constant 0 : i32
    %sign3A_512 = arith.cmpi slt, %add3A_505, %sign3A_511 : i32
    %sign3A_513 = arith.extui %sign3A_512 : i1 to i32
    %sign3A_514 = arith.subi %sign3A_510, %sign3A_513 : i32
    %sign3A_515 = arith.constant 0 : i32
    %sign3A_516 = arith.cmpi sgt, %jit3A_506, %sign3A_515 : i32
    %sign3A_517 = arith.extui %sign3A_516 : i1 to i32
    %sign3A_518 = arith.constant 0 : i32
    %sign3A_519 = arith.cmpi slt, %jit3A_506, %sign3A_518 : i32
    %sign3A_520 = arith.extui %sign3A_519 : i1 to i32
    %sign3A_521 = arith.subi %sign3A_517, %sign3A_520 : i32
    %ne3A_522 = arith.cmpi ne, %sign3A_514, %sign3A_521 : i32
    %rem3A_523 = arith.remsi %add3A_505, %jit3A_506 : i32
    %ne3A_524 = arith.constant 0 : i32
    %ne3A_525 = arith.cmpi ne, %rem3A_523, %ne3A_524 : i32
    %and3A_526 = arith.andi %ne3A_522, %ne3A_525 : i1
    %sub3A_527 = arith.constant 1 : i32
    %sub3A_528 = arith.subi %div3A_507, %sub3A_527 : i32
    %select_n3A_529 = arith.select %and3A_526, %sub3A_528, %div3A_507 : i32
    %jit3A_530 = arith.constant 4096 : i32
    %eq3A_531 = arith.constant 0 : i32
    %eq3A_532 = arith.cmpi eq, %jit3A_530, %eq3A_531 : i32
    %jit3A_533 = arith.constant 1 : i32
    %select_n3A_534 = arith.select %eq3A_532, %jit3A_533, %jit3A_530 : i32
    %rem3A_535 = arith.remsi %add3A_505, %select_n3A_534 : i32
    %ne3A_536 = arith.constant 0 : i32
    %ne3A_537 = arith.cmpi ne, %rem3A_535, %ne3A_536 : i32
    %lt3A_538 = arith.constant 0 : i32
    %lt3A_539 = arith.cmpi slt, %rem3A_535, %lt3A_538 : i32
    %lt3A_540 = arith.constant 0 : i32
    %lt3A_541 = arith.cmpi slt, %select_n3A_534, %lt3A_540 : i32
    %ne3A_542 = arith.xori %lt3A_539, %lt3A_541 : i1
    %and3A_543 = arith.andi %ne3A_542, %ne3A_537 : i1
    %add3A_544 = arith.addi %rem3A_535, %select_n3A_534 : i32
    %select_n3A_545 = arith.select %and3A_543, %add3A_544, %rem3A_535 : i32
    %dma_wait3A_546 = arith.constant 6 : i32
    %dma_wait3A_547 = arith.constant 0 : i32
    %dma_wait3A_548 = arith.constant 0 : i32
    %dma_wait3A_549 = tpu.memref_slice %arg6[%dma_wait3A_546, %dma_wait3A_547, %dma_wait3A_548] : memref<7x128x128xf32, #tpu.memory_space<vmem>> -> memref<1x128x128xf32, #tpu.memory_space<vmem>>
    %dma_wait3A_550 = tpu.memref_squeeze %dma_wait3A_549 : memref<1x128x128xf32, #tpu.memory_space<vmem>> -> memref<128x128xf32, #tpu.memory_space<vmem>>
    %dma_wait3A_551 = arith.constant 0 : i32
    %dma_wait3A_552 = tpu.memref_slice %arg4[%select_n3A_529, %select_n3A_545, %dma_wait3A_551] : memref<50x4096x128xf32, #tpu.memory_space<hbm>> -> memref<1x128x128xf32, #tpu.memory_space<hbm>>
    %dma_wait3A_553 = tpu.memref_squeeze %dma_wait3A_552 : memref<1x128x128xf32, #tpu.memory_space<hbm>> -> memref<128x128xf32, #tpu.memory_space<hbm>>
    %dma_wait3A_554 = arith.constant 0 : i32
    %dma_wait3A_555 = tpu.memref_slice %arg4[%select_n3A_529, %select_n3A_545, %dma_wait3A_554] : memref<50x4096x128xf32, #tpu.memory_space<hbm>> -> memref<1x128x128xf32, #tpu.memory_space<hbm>>
    %dma_wait3A_556 = tpu.memref_squeeze %dma_wait3A_555 : memref<1x128x128xf32, #tpu.memory_space<hbm>> -> memref<128x128xf32, #tpu.memory_space<hbm>>
    %dma_wait3A_557 = arith.constant 0 : i32
    %dma_wait3A_558 = arith.constant 0 : i32
    %dma_wait3A_559 = tpu.memref_slice %arg6[%dma_wait3A_546, %dma_wait3A_557, %dma_wait3A_558] : memref<7x128x128xf32, #tpu.memory_space<vmem>> -> memref<1x128x128xf32, #tpu.memory_space<vmem>>
    %dma_wait3A_560 = tpu.memref_squeeze %dma_wait3A_559 : memref<1x128x128xf32, #tpu.memory_space<vmem>> -> memref<128x128xf32, #tpu.memory_space<vmem>>
    tpu.wait_dma2 semaphore(%arg20 : memref<!tpu.dma_semaphore, #tpu.memory_space<semaphore_mem>>) src(%dma_wait3A_560 : memref<128x128xf32, #tpu.memory_space<vmem>>) dst(%dma_wait3A_556 : memref<128x128xf32, #tpu.memory_space<hbm>>)
    return
  }
}

</mosaic_0001>

<sc_bundles>
// kernel: kernel.3.cloned.1.call-start
scs
__scs_entry_jumppad:
0x0: {  	(pc) =	sbr.rel $0x88, $3  }
0x1: {  	(tag) =	ssettag $0x0;
	lr =	simm.s32 $0x1  }
0x2: {  	[smem:$0x3F9F] =	sst lr;
	_ =	strace $0xD0000000  }
0x3: {  	_ = 	snop  }
0x4: {  	_ = 	snop  }
0x5: {  	_ = 	snop  }
0x6: {  	_ = 	snop  }
0x7: {  	_ = 	snop  }
__scs_overlays_trampoline_lowered:
0x8: {  	[smem:$0x3FAE] =	sst s0  }
0x9: {  	[smem:$0x3FAF] =	sst s1  }
0xa: {  	[smem:$0x3FB0] =	sst s2  }
0xb: {  	[smem:$0x3FB1] =	sst s3  }
0xc: {  	[smem:$0x3FB2] =	sst s4  }
0xd: {  	[smem:$0x3FB3] =	sst s5  }
0xe: {  	[smem:$0x3FB4] =	sst s6  }
0xf: {  	[smem:$0x3FB5] =	sst s7  }
0x10: {  	[smem:$0x3FB6] =	sst s8  }
0x11: {  	[smem:$0x3FB7] =	sst s9;
	s0 =	simm.s32 @!p0 $0x0  }
0x12: {  	s1 =	sld [smem:$0x3F9D];
	s0 =	simm.s32 @p0 $0x1  }
0x13: {  	[smem:$0x3FB8] =	sst s0;
	s0 =	simm.s32 @!p1 $0x0  }
0x14: {  	s2 =	sld [smem:$0x3F9C];
	s0 =	simm.s32 @p1 $0x1  }
0x15: {  	[smem:$0x3FB9] =	sst s0;
	s0 =	simm.s32 @!p2 $0x0  }
0x16: {  	s3 =	sld [smem:$0x3FDB];
	s0 =	simm.s32 @p2 $0x1  }
0x17: {  	s4 =	simm.s32 $0x1BF5;
	[smem:$0x3FBB] =	sst s0  }
0x18: {  	s0 =	sld [smem:$0x3F9E];
	_ =	swait.ge [sflag:s4], $0x0  }
0x19: {  	s7 =	sld [smem:$0x3F9F]  }
0x1a: {  	s8 =	sadd.s32 $0xFFFFE003, lr  }
0x1b: {  	s9 =	sadd.s32 $0xFFFFFEF7, lr;
	s5 =	simm.s32 $0xFFFFFFFF;
	p2 =	slt.u32 s8, $0xFFFFF086  }
0x1c: {  	p1 =	slt.u32 s9, $0xF7A;
	s5 =	simm.s32 @!p2 $0x0  }
0x1d: {  	s5 =	simm.s32 @p1 $0x1;
	p0 =	seq.s32 s7, s2  }
0x1e: {  	s7 =	smul.u32 @!p0 $0xF7A, s2;
	p2 =	seq.s32 @!p0 s5, $0x0  }
0x1f: {  	s9 =	smul.u32 $0xF7A, s1;
	s8 =	simm.s32 @!p0 $0x1BF5;
	p2 =	por !p2, p0  }
0x20: {  	[sflag:s8] =	ssyncset.s32 @!p0 $0xFFFFF086;
	s6 =	sadd.s32 @!p0 s3, s7;
	s7 =	simm.s32 @!p0 $0x108  }
0x21: {  	s3 =	sadd.s32 s3, s9;
	s6 =	sadd.s32 @!p0 $0x88, s6;
	s7 =	simm.s32 @p2 $0x1082  }
0x22: {  	[simem:s7], [sflag:s8] =	dma.local @!p0 [hbm:s6], $0xF7A  }
0x23: {  	s9 =	sor.u32 $0xD0000000, s2;
	s6 =	simm.s32 $0x108;
	_ =	swait.ge @!p0 [sflag:s8], $0x0  }
0x24: {  	s3 =	sadd.s32 $0x88, s3;
	s6 =	simm.s32 @!p1 $0x1082;
	[sflag:s4] =	ssyncset.s32 $0xFFFFF086  }
0x25: {  	[simem:s6], [sflag:s4] =	dma.local [hbm:s3], $0xF7A  }
0x26: {  	[smem:$0x3F9F] =	sst s1;
	(tag) =	ssettag s2;
	_ =	strace s9  }
0x27: {  	s1 =	sld [smem:$0x3FAF]  }
0x28: {  	s2 =	sld [smem:$0x3FB0]  }
0x29: {  	s4 =	sld [smem:$0x3FB2]  }
0x2a: {  	p0 =	seq.s32 s5, $0x0;
	s5 =	sld [smem:$0x3FB3]  }
0x2b: {  	s6 =	sld [smem:$0x3FB4]  }
0x2c: {  	s7 =	sld [smem:$0x3FB5]  }
0x2d: {  	s3 =	simm.s32 $0x108;
	s8 =	sld [smem:$0x3FB6]  }
0x2e: {  	s3 =	simm.s32 @!p0 $0x1082;
	s9 =	sld [smem:$0x3FB7]  }
0x2f: {  	lr =	sadd.s32 s0, s3;
	s0 =	sld [smem:$0x3FAE]  }
0x30: {  	s3 =	sld [smem:$0x3FB1]  }
0x31: {  	[smem:$0x3FBA] =	sst s10  }
0x32: {  	s10 =	sld [smem:$0x3FB8];
	_ =	sdelay $0x3  }
0x33: {  	p0 =	seq.s32 s10, $0x1;
	s10 =	sld [smem:$0x3FBA];
	_ =	sdelay $0x3  }
0x34: {  	[smem:$0x3FBA] =	sst s10  }
0x35: {  	s10 =	sld [smem:$0x3FB9];
	_ =	sdelay $0x3  }
0x36: {  	p1 =	seq.s32 s10, $0x1;
	s10 =	sld [smem:$0x3FBA];
	_ =	sdelay $0x3  }
0x37: {  	[smem:$0x3FBA] =	sst s10  }
0x38: {  	s10 =	sld [smem:$0x3FBB]  }
0x39: {  	_ = 	snop;
	(pc) =	sbr.ind lr, $3  }
0x3a: {  	_ = 	snop  }
0x3b: {  	_ = 	snop  }
0x3c: {  	p2 =	seq.s32 s10, $0x1;
	s10 =	sld [smem:$0x3FBA]  }
0x3d: {  	_ =	shalt  }
0x3e: {  	_ =	shalt  }
0x3f: {  	_ =	shalt  }
0x40: {  	_ =	shalt  }
0x41: {  	_ =	shalt  }
0x42: {  	_ =	shalt  }
0x43: {  	_ =	shalt  }
0x44: {  	_ =	shalt  }
0x45: {  	_ =	shalt  }
0x46: {  	_ =	shalt  }
0x47: {  	_ =	shalt  }
0x48: {  	_ =	shalt  }
0x49: {  	_ =	shalt  }
0x4a: {  	_ =	shalt  }
0x4b: {  	_ =	shalt  }
0x4c: {  	_ =	shalt  }
0x4d: {  	_ =	shalt  }
0x4e: {  	_ =	shalt  }
0x4f: {  	_ =	shalt  }
0x50: {  	_ =	shalt  }
0x51: {  	_ =	shalt  }
0x52: {  	_ =	shalt  }
0x53: {  	_ =	shalt  }
0x54: {  	_ =	shalt  }
0x55: {  	_ =	shalt  }
0x56: {  	_ =	shalt  }
0x57: {  	_ =	shalt  }
0x58: {  	_ =	shalt  }
0x59: {  	_ =	shalt  }
0x5a: {  	_ =	shalt  }
0x5b: {  	_ =	shalt  }
0x5c: {  	_ =	shalt  }
0x5d: {  	_ =	shalt  }
0x5e: {  	_ =	shalt  }
0x5f: {  	_ =	shalt  }
0x60: {  	_ =	shalt  }
0x61: {  	_ =	shalt  }
0x62: {  	_ =	shalt  }
0x63: {  	_ =	shalt  }
0x64: {  	_ =	shalt  }
0x65: {  	_ =	shalt  }
0x66: {  	_ =	shalt  }
0x67: {  	_ =	shalt  }
0x68: {  	_ =	shalt  }
0x69: {  	_ =	shalt  }
0x6a: {  	_ =	shalt  }
0x6b: {  	_ =	shalt  }
0x6c: {  	_ =	shalt  }
0x6d: {  	_ =	shalt  }
0x6e: {  	_ =	shalt  }
0x6f: {  	_ =	shalt  }
0x70: {  	_ =	shalt  }
0x71: {  	_ =	shalt  }
0x72: {  	_ =	shalt  }
0x73: {  	_ =	shalt  }
0x74: {  	_ =	shalt  }
0x75: {  	_ =	shalt  }
0x76: {  	_ =	shalt  }
0x77: {  	_ =	shalt  }
0x78: {  	_ =	shalt  }
0x79: {  	_ =	shalt  }
0x7a: {  	_ =	shalt  }
0x7b: {  	_ =	shalt  }
0x7c: {  	_ =	shalt  }
0x7d: {  	_ =	shalt  }
0x7e: {  	_ =	shalt  }
0x7f: {  	_ =	shalt  }
0x80: {  	_ =	shalt  }
0x81: {  	_ =	shalt  }
0x82: {  	_ =	shalt  }
0x83: {  	_ =	shalt  }
0x84: {  	_ =	shalt  }
0x85: {  	_ =	shalt  }
0x86: {  	_ =	shalt  }
0x87: {  	_ =	shalt  }
.Lfunc_end0:
.L_simem_size_0:
called_computation_lowered:
.L_overlay_start_0:
0x88: {  	s2 =	sld [smem:$0x3FD9]  }
0x89: {  	s3 =	sld [smem:$0x3FFE];
	_ =	sdelay $0x1  }
0x8a: {  	s1 =	srdreg.scid  }
0x8b: {  	s0 =	sand.u32 $0x1, s1  }
0x8c: {  	s17 =	sshll.u32 s0, $0xA;
	s2 =	sadd.s32 s3, s2  }
0x8d: {  	s2 =	sadd.s32 s2, s17  }
0x8e: {  	[smem:$0x3FC6] =	sst s2  }
0x8f: {  	_ = 	snop  }
0x90: {  	s2 =	sld [smem:$0x3FC8]  }
0x91: {  	s18 =	sld [smem:$0x3FD0];
	(tm) =	ssettm $0x1  }
0x92: {  	s4 =	sld [smem:$0x3FFB];
	_ =	sdelay $0x3  }
0x93: {  	_ =	strace s4  }
0x94: {  	s4 =	sld [smem:$0x3FFC];
	_ =	sdelay $0x3  }
0x95: {  	_ =	strace s4  }
0x96: {  	s4 =	sld [smem:$0x3FFD];
	_ =	sdelay $0x3  }
0x97: {  	_ =	strace s4  }
0x98: {  	_ =	strace $0x8FFFFFFF  }
0x99: {  	s19 =	sld [smem:$0x3FDB];
	_ =	sdelay $0x1  }
0x9a: {  	s5 =	simm.s32 $_scs_section_size  }
0x9b: {  	s6 =	simm.s32 $_size__tile_overlayer_lowered;
	s7 =	simm.s32 $_tile_overlayer_lowered  }
0x9c: {  	s22 =	simm.s32 $0x1BFF;
	s21 =	sshll.u32 s7, $0x1;
	s4 =	sadd.s32 s5, s19  }
0x9d: {  	s8 =	simm.s32 $0x0;
	s20 =	sshll.u32 s6, $0x1;
	s6 =	sadd.s32 s21, s4  }
0x9e: {  	[timem:s8], [sflag:s22] =	dma.local [hbm:s6], s20  }
0x9f: {  	_ =	swait.ge [sflag:s22], s20  }
0xa0: {  	s5 =	ssub.s32 $0x0, s20;
	[sflag:s22] =	ssyncset.done $0x0  }
0xa1: {  	[sflag:s22] =	ssyncadd.s32 s5;
	_ =	sdelay $0x1  }
0xa2: {  	s23 =	simm.s32 $0x1B8B  }
0xa3: {  	_ =	swait.ge [sflag:s23], $0x1  }
0xa4: {  	[sflag:s23] =	ssyncset.done $0x0  }
0xa5: {  	s25 =	simm.s32 $0x1B8E;
	s24 =	sld [smem:$0x3FFE];
	[sflag:s23] =	ssyncadd.s32 $0xFFFFFFFF  }
0xa6: {  	s26 =	simm.s32 $execute0_lowered;
	[smem:$0x3FD2] =	sst s25  }
0xa7: {  	s6 =	sshll.u32 s26, $0x1;
	_ =	strace $0x80000046;
	[dreg:$0x1] =	wrdreg $0xFFFFFFFF  }
0xa8: {  	s28 =	simm.s32 $_size_execute0_lowered;
	s4 =	sadd.s32 s4, s6;
	[dreg:$0x0] =	wrdreg $0x0  }
0xa9: {  	s6 =	sshll.u32 s28, $0x1;
	[dreg:$0x2] =	wrdreg s4  }
0xaa: {  	[dreg:$0x3] =	wrdreg s6  }
0xab: {  	[dreg:$0x4] =	wrdreg $0xC0  }
0xac: {  	_ =	task [dreg:s8], $0x5FFFF  }
0xad: {  	[dreg:$0x1] =	wrdreg $0xFFFFFFFF  }
0xae: {  	[dreg:$0x0] =	wrdreg $0x60  }
0xaf: {  	[dreg:$0x2] =	wrdreg s2  }
0xb0: {  	[dreg:$0x3] =	wrdreg s24  }
0xb1: {  	[dreg:$0x4] =	wrdreg s18  }
0xb2: {  	[dreg:$0x5] =	wrdreg $0x9  }
0xb3: {  	_ =	task.clear_ibuf [dreg:s8], $0x6FFFF;
	_ =	strace $0x90000046  }
0xb4: {  	s29 =	simm.s32 $0x9;
	_ =	strace $0x80000048  }
0xb5: {  	_ =	swait.ge [sflag:s29], $0x1  }
0xb6: {  	[sflag:s29] =	ssyncadd.s32 $0xFFFFFFFF  }
0xb7: {  	_ =	strace $0x90000048  }
0xb8: {  	_ =	sfence  }
0xb9: {  	s30 =	sld [smem:$0x0];
	_ =	sdelay $0x2  }
0xba: {  	s31 =	sshll.u32 s1, $0xD;
	s1 =	sshrl.u32 s1, $0x2  }
0xbb: {  	s3 =	sand.u32 $0x4000, s31;
	s1 =	sadd.s32 s1, s30  }
0xbc: {  	s0 =	sor.u32 s3, s0;
	s1 =	sshll.u32 s1, $0x11  }
0xbd: {  	s0 =	sor.u32 s1, s0  }
0xbe: {  	s0 =	sadd.s32 $0x8F2B, s0  }
0xbf: {  	[sflag:s0] =	ssyncadd.remote.s32 $0x1  }
0xc0: {  	_ =	sfence.sel $0xFFFF  }
0xc1: {  	[dreg:$0x0] =	wrdreg $0xFFFFFFFF;
	(pc) =	sbr.abs _section_cstart, $3  }
0xc2: {  	[dreg:$0x1] =	wrdreg $0xFFFFFFFF  }
0xc3: {  	_ =	task.clear_ibuf [dreg:s8], $0x2FFFF;
	_ =	strace $0x9FFFFFFF  }
0xc4: {  	(tm) =	ssettm $0x7FFFFFFF  }
0xc5: {  	_ =	shalt  }
tec
execute0_lowered:
.L_overlay_start_1:
0x0: {  	(tag) =	ssettag $0x1  }
0x1: {  	s2 =	rddreg [dreg:$0x0]  }
0x2: {  	s0 =	srdreg.scid;
	s4 =	rddreg [dreg:$0x1]  }
0x3: {  	s10 =	stileid.u32;
	s6 =	rddreg [dreg:$0x2]  }
0x4: {  	s3 =	simm.s32 $0x0;
	s15 =	simm.s32 $0x80;
	s16 =	simm.s32 $0x1C00  }
0x5: {  	s17 =	simm.s32 $0x5C00;
	s19 =	simm.s32 $0x9C00;
	s28 =	simm.s32 $0x19C00  }
0x6: {  	s29 =	simm.s32 $0x1;
	s30 =	simm.s32 $0x8;
	s7 =	smul.u32 $0x3200, s10  }
0x7: {  	s31 =	simm.s32 $0x2;
	s0 =	sand.u32 $0x1, s0;
	s25 =	smul.u32 $0x32000, s10  }
0x8: {  	s18 =	simm.s32 $0x5;
	s1 =	sshll.u32 s10, $0x1;
	s9 =	smul.u32 $0x1900, s0  }
0x9: {  	s1 =	sor.u32 s0, s1;
	s8 =	ssub.s32 $0x2, s0;
	s0 =	smul.u32 $0x19000, s0  }
0xa: {  	s20 =	simm.s32 $0x6;
	[smem:$0x7FF] =	sst s3;
	s5 =	smul.u32 $0x380, s1  }
0xb: {  	s14 =	simm.s32 $0xE;
	_ =	strace $0x80000047;
	s1 =	smul.u32 $0xC8000, s1  }
0xc: {  	s21 =	sshrl.u32 s8, $0x1;
	s26 =	sadd.s32 s25, s6;
	s25 =	simm.s32 $0x15C00  }
0xd: {  	s7 =	sadd.s32 s9, s7;
	s13 =	sadd.s32 s0, s26;
	s0 =	simm.s32 $0x4  }
0xe: {  	s4 =	sadd.s32 s5, s4;
	s5 =	ssub.s32 s8, s21;
	s1 =	sshrl.u32 s1, $0x3  }
0xf: {  	s22 =	sshll.u32 s7, $0x4;
	s21 =	simm.s32 $0xDC00;
	s4 =	sadd.s32 $0x400, s4  }
0x10: {  	s1 =	sadd.s32 s6, s1;
	s23 =	smax.u32 s5, $0x1;
	s24 =	sadd.s32 s22, s6  }
.Ltmp0:
0x11: {  	s22 =	simm.s32 $0x7;
	[dreg:$0x4] =	wrdreg s4;
	(pc) =	sbr.rel .LBB2_1-.Ltmp0, $4  }
0x12: {  	s5 =	simm.s32 $0x0;
	s1 =	sadd.s32 $0x18800, s1;
	[dreg:$0x6] =	wrdreg s23  }
0x13: {  	s7 =	sadd.s32 $0x3000, s24;
	s8 =	sadd.s32 $0x2800, s24;
	s9 =	sadd.s32 $0x2000, s24  }
0x14: {  	s10 =	sadd.s32 $0x1800, s24;
	s11 =	sadd.s32 $0x1000, s24;
	s12 =	sadd.s32 $0x800, s24  }
0x15: {  	s23 =	simm.s32 $0x11C00;
	[dreg:$0x5] =	wrdreg s1;
	s1 =	simm.s32 $0x3  }
.LBB2_4:
0x16: {  	_ =	swait.ge [sflag:s29], $0x4000  }
0x17: {  	[sflag:s29] =	ssyncset.done $0x0  }
0x18: {  	s4 =	rddreg [dreg:$0x5];
	[sflag:s29] =	ssyncadd.s32 $0xFFFFC000  }
0x19: {  	[hbm4b:s4+s3] =	stream.linear.scatter [tilespmem:s16], [sflag:$0x8], $0x4000, $0x38;
	[tilespmem:$0x1DC00] =	vst v63  }
0x1a: {  	_ =	swait.ge [sflag:s30], $0x4000  }
0x1b: {  	[sflag:s30] =	ssyncset.done $0x0  }
0x1c: {  	s24 =	simm.s32 $0x9;
	[sflag:s30] =	ssyncadd.s32 $0xFFFFC000  }
0x1d: {  	_ =	swait.ge [sflag:s24], $0x4000  }
0x1e: {  	[sflag:s24] =	ssyncset.done $0x0  }
0x1f: {  	s26 =	simm.s32 $0xA;
	[sflag:s24] =	ssyncadd.s32 $0xFFFFC000  }
0x20: {  	_ =	swait.ge [sflag:s26], $0x4000  }
0x21: {  	[sflag:s26] =	ssyncset.done $0x0  }
0x22: {  	s5 =	simm.s32 $0xB;
	[sflag:s26] =	ssyncadd.s32 $0xFFFFC000  }
0x23: {  	_ =	swait.ge [sflag:s5], $0x4000  }
0x24: {  	[sflag:s5] =	ssyncset.done $0x0  }
0x25: {  	s6 =	simm.s32 $0xC;
	[sflag:s5] =	ssyncadd.s32 $0xFFFFC000  }
0x26: {  	_ =	swait.ge [sflag:s6], $0x4000  }
0x27: {  	[sflag:s6] =	ssyncset.done $0x0  }
0x28: {  	s24 =	simm.s32 $0xD;
	[sflag:s6] =	ssyncadd.s32 $0xFFFFC000  }
0x29: {  	_ =	swait.ge [sflag:s24], $0x4000  }
0x2a: {  	[sflag:s24] =	ssyncset.done $0x0  }
0x2b: {  	[sflag:s24] =	ssyncadd.s32 $0xFFFFC000  }
0x2c: {  	_ =	swait.ge [sflag:s14], $0x4000  }
0x2d: {  	s5 =	rddreg [dreg:$0x7]  }
0x2e: {  	s26 =	rddreg [dreg:$0x6];
	s5 =	sadd.s32 $0x1, s5  }
0x2f: {  	p0 =	sne.s32 s5, s26  }
.Ltmp1:
0x30: {  	_ = 	snop;
	(pc) =	sbr.rel @!p0 .LBB2_5-.Ltmp1, $3  }
0x31: {  	_ =	sdelay $0x1  }
0x32: {  	[sflag:s14] =	ssyncset.done $0x0  }
0x33: {  	[sflag:s14] =	ssyncadd.s32 $0xFFFFC000  }
.LBB2_1:
0x34: {  	[dreg:$0x7] =	wrdreg s5  }
0x35: {  	s4 =	rddreg [dreg:$0x4];
	s24 =	simm.s32 $0xF  }
0x36: {  	[tilespmem:s3], [sflag:$0xF] =	stream.linear.gather [hbm4b:s4+s3], $0x1900, $0x38;
	[tilespmem:$0x1DC00] =	vst v63  }
0x37: {  	_ =	swait.ge [sflag:s24], $0x1900  }
0x38: {  	[sflag:s24] =	ssyncset.done $0x0  }
0x39: {  	[sflag:s24] =	ssyncadd.s32 $0xFFFFE700  }
0x3a: {  	[tilespmem:s16], [sflag:$0x1] =	stream.indirect.gather [hbm4b:s2+s15], $0x80, s3, s15, $0xb8;
	[tilespmem:$0x1DC00] =	vst v63  }
0x3b: {  	_ = 	snop  }
0x3c: {  	[tilespmem:s17], [sflag:$0x2] =	stream.indirect.gather [hbm4b:s2+s15], $0x80, s15, s15, $0xb8;
	[tilespmem:$0x1DC00] =	vst v63  }
0x3d: {  	s26 =	simm.s32 $0x100  }
0x3e: {  	[tilespmem:s19], [sflag:$0x3] =	stream.indirect.gather [hbm4b:s2+s15], $0x80, s26, s15, $0xb8;
	[tilespmem:$0x1DC00] =	vst v63  }
0x3f: {  	s5 =	simm.s32 $0x180  }
0x40: {  	[tilespmem:s21], [sflag:$0x4] =	stream.indirect.gather [hbm4b:s2+s15], $0x80, s5, s15, $0xb8;
	[tilespmem:$0x1DC00] =	vst v63  }
0x41: {  	s6 =	simm.s32 $0x200  }
0x42: {  	[tilespmem:s23], [sflag:$0x5] =	stream.indirect.gather [hbm4b:s2+s15], $0x80, s6, s15, $0xb8;
	[tilespmem:$0x1DC00] =	vst v63  }
0x43: {  	s24 =	simm.s32 $0x280  }
0x44: {  	[tilespmem:s25], [sflag:$0x6] =	stream.indirect.gather [hbm4b:s2+s15], $0x80, s24, s15, $0xb8;
	[tilespmem:$0x1DC00] =	vst v63  }
0x45: {  	s26 =	simm.s32 $0x300  }
0x46: {  	[tilespmem:s28], [sflag:$0x7] =	stream.indirect.gather [hbm4b:s2+s15], $0x80, s26, s15, $0xb8;
	[tilespmem:$0x1DC00] =	vst v63  }
0x47: {  	s4 =	simm.s32 $0x0;
	s26 =	simm.s32 $0x680  }
.LBB2_2:
0x48: {  	_ =	swait.ge [sflag:s29], $0x4000  }
0x49: {  	[sflag:s29] =	ssyncset.done $0x0  }
0x4a: {  	s5 =	sadd.s32 s4, s13;
	[sflag:s29] =	ssyncadd.s32 $0xFFFFC000  }
0x4b: {  	[hbm4b:s5+s3] =	stream.linear.scatter [tilespmem:s16], [sflag:$0x8], $0x4000, $0x38;
	[tilespmem:$0x1DC00] =	vst v63  }
0x4c: {  	_ =	swait.ge [sflag:s30], $0x4000  }
0x4d: {  	[sflag:s30] =	ssyncset.done $0x0  }
0x4e: {  	s24 =	sadd.s32 $0xFFFFFD00, s26;
	[sflag:s30] =	ssyncadd.s32 $0xFFFFC000  }
0x4f: {  	[tilespmem:s16], [sflag:$0x1] =	stream.indirect.gather [hbm4b:s2+s15], $0x80, s24, s15, $0xb8;
	[tilespmem:$0x1DC00] =	vst v63  }
0x50: {  	_ =	swait.ge [sflag:s31], $0x4000  }
0x51: {  	p0 =	seq.s32 s4, $0x15000;
	[sflag:s31] =	ssyncset.done $0x0  }
0x52: {  	s6 =	sadd.s32 s4, s12;
	s5 =	simm.s32 @!p0 $0x9;
	[sflag:s31] =	ssyncadd.s32 $0xFFFFC000  }
0x53: {  	[hbm4b:s6+s3] =	stream.linear.scatter [tilespmem:s17], [sflag:$0x9], $0x4000, $0x38;
	[tilespmem:$0x1DC00] =	vst v63  }
0x54: {  	_ =	swait.ge @!p0 [sflag:s5], $0x4000  }
0x55: {  	s24 =	simm.s32 @!p0 $0x5C00;
	[sflag:s5] =	ssyncset.done @!p0 $0x0  }
0x56: {  	s6 =	simm.s32 @!p0 $0x80;
	[sflag:s5] =	ssyncadd.s32 @!p0 $0xFFFFC000;
	s5 =	sadd.s32 @!p0 $0xFFFFFD80, s26  }
0x57: {  	[tilespmem:s24], [sflag:$0x2] =	stream.indirect.gather @!p0 [hbm4b:s2+s6], $0x80, s5, s6, $0xb8;
	[tilespmem:$0x1DC00] =	vst v63  }
0x58: {  	_ =	swait.ge [sflag:s1], $0x4000  }
0x59: {  	[sflag:s1] =	ssyncset.done $0x0  }
0x5a: {  	s24 =	sadd.s32 s4, s11;
	s5 =	simm.s32 @!p0 $0xA;
	[sflag:s1] =	ssyncadd.s32 $0xFFFFC000  }
0x5b: {  	[hbm4b:s24+s3] =	stream.linear.scatter [tilespmem:s19], [sflag:$0xA], $0x4000, $0x38;
	[tilespmem:$0x1DC00] =	vst v63  }
0x5c: {  	_ =	swait.ge @!p0 [sflag:s5], $0x4000  }
0x5d: {  	[sflag:s5] =	ssyncset.done @!p0 $0x0  }
0x5e: {  	s24 =	simm.s32 @!p0 $0x9C00;
	[sflag:s5] =	ssyncadd.s32 @!p0 $0xFFFFC000;
	s5 =	sadd.s32 @!p0 $0xFFFFFE00, s26  }
0x5f: {  	[tilespmem:s24], [sflag:$0x3] =	stream.indirect.gather @!p0 [hbm4b:s2+s6], $0x80, s5, s6, $0xb8;
	[tilespmem:$0x1DC00] =	vst v63  }
0x60: {  	_ =	swait.ge [sflag:s0], $0x4000  }
0x61: {  	[sflag:s0] =	ssyncset.done $0x0  }
0x62: {  	s24 =	sadd.s32 s4, s10;
	s5 =	simm.s32 @!p0 $0xB;
	[sflag:s0] =	ssyncadd.s32 $0xFFFFC000  }
0x63: {  	[hbm4b:s24+s3] =	stream.linear.scatter [tilespmem:s21], [sflag:$0xB], $0x4000, $0x38;
	[tilespmem:$0x1DC00] =	vst v63  }
0x64: {  	_ =	swait.ge @!p0 [sflag:s5], $0x4000  }
0x65: {  	[sflag:s5] =	ssyncset.done @!p0 $0x0  }
0x66: {  	s24 =	simm.s32 @!p0 $0xDC00;
	[sflag:s5] =	ssyncadd.s32 @!p0 $0xFFFFC000;
	s5 =	sadd.s32 @!p0 $0xFFFFFE80, s26  }
0x67: {  	[tilespmem:s24], [sflag:$0x4] =	stream.indirect.gather @!p0 [hbm4b:s2+s6], $0x80, s5, s6, $0xb8;
	[tilespmem:$0x1DC00] =	vst v63  }
0x68: {  	_ =	swait.ge [sflag:s18], $0x4000  }
0x69: {  	[sflag:s18] =	ssyncset.done $0x0  }
0x6a: {  	s24 =	sadd.s32 s4, s9;
	s5 =	simm.s32 @!p0 $0xC;
	[sflag:s18] =	ssyncadd.s32 $0xFFFFC000  }
0x6b: {  	[hbm4b:s24+s3] =	stream.linear.scatter [tilespmem:s23], [sflag:$0xC], $0x4000, $0x38;
	[tilespmem:$0x1DC00] =	vst v63  }
0x6c: {  	_ =	swait.ge @!p0 [sflag:s5], $0x4000  }
0x6d: {  	[sflag:s5] =	ssyncset.done @!p0 $0x0  }
0x6e: {  	s24 =	simm.s32 @!p0 $0x11C00;
	[sflag:s5] =	ssyncadd.s32 @!p0 $0xFFFFC000;
	s5 =	sadd.s32 @!p0 $0xFFFFFF00, s26  }
0x6f: {  	[tilespmem:s24], [sflag:$0x5] =	stream.indirect.gather @!p0 [hbm4b:s2+s6], $0x80, s5, s6, $0xb8;
	[tilespmem:$0x1DC00] =	vst v63  }
0x70: {  	_ =	swait.ge [sflag:s20], $0x4000  }
0x71: {  	[sflag:s20] =	ssyncset.done $0x0  }
0x72: {  	s24 =	sadd.s32 s4, s8;
	s5 =	simm.s32 @!p0 $0xD;
	[sflag:s20] =	ssyncadd.s32 $0xFFFFC000  }
0x73: {  	[hbm4b:s24+s3] =	stream.linear.scatter [tilespmem:s25], [sflag:$0xD], $0x4000, $0x38;
	[tilespmem:$0x1DC00] =	vst v63  }
0x74: {  	_ =	swait.ge @!p0 [sflag:s5], $0x4000  }
0x75: {  	[sflag:s5] =	ssyncset.done @!p0 $0x0  }
0x76: {  	s24 =	simm.s32 @!p0 $0x15C00;
	[sflag:s5] =	ssyncadd.s32 @!p0 $0xFFFFC000;
	s5 =	sadd.s32 @!p0 $0xFFFFFF80, s26  }
0x77: {  	[tilespmem:s24], [sflag:$0x6] =	stream.indirect.gather @!p0 [hbm4b:s2+s6], $0x80, s5, s6, $0xb8;
	[tilespmem:$0x1DC00] =	vst v63  }
.Ltmp2:
0x78: {  	_ = 	snop;
	(pc) =	sbr.rel @p0 .LBB2_4-.Ltmp2, $4  }
0x79: {  	_ =	swait.ge [sflag:s22], $0x4000  }
0x7a: {  	[sflag:s22] =	ssyncset.done $0x0  }
0x7b: {  	s24 =	sadd.s32 s4, s7;
	[sflag:s22] =	ssyncadd.s32 $0xFFFFC000  }
0x7c: {  	[hbm4b:s24+s3] =	stream.linear.scatter [tilespmem:s28], [sflag:$0xE], $0x4000, $0x38;
	[tilespmem:$0x1DC00] =	vst v63  }
.Ltmp3:
0x7d: {  	_ =	swait.ge [sflag:s14], $0x4000;
	(pc) =	sbr.rel .LBB2_2-.Ltmp3, $4  }
0x7e: {  	[sflag:s14] =	ssyncset.done $0x0  }
0x7f: {  	[sflag:s14] =	ssyncadd.s32 $0xFFFFC000  }
0x80: {  	[tilespmem:s28], [sflag:$0x7] =	stream.indirect.gather [hbm4b:s2+s15], $0x80, s26, s15, $0xb8;
	[tilespmem:$0x1DC00] =	vst v63  }
0x81: {  	s4 =	sadd.s32 $0x3800, s4;
	s26 =	sadd.s32 $0x380, s26  }
.LBB2_5:
0x82: {  	_ =	sfence.sel $0x180000  }
0x83: {  	[bflag:$0x0] =	sbarrier.arrive $0xFFFF  }
0x84: {  	_ =	strace $0x90000047  }
0x85: {  	s0 =	stileid.u32;
	[bflag:$0x2] =	sbarrier.arrive $0xFFFF  }
0x86: {  	p0 =	sne.s32 s0, $0x0;
	s0 =	rddreg [dreg:$0x3]  }
0x87: {  	s0 =	sadd.s32 @!p0 $0x100000, s0  }
0x88: {  	[sflag:s0] =	ssyncadd.tile.s32 @!p0 $0x1;
	_ =	shalt  }
.Lfunc_end2:
_tile_overlayer_lowered:
.L_overlay_start_2:
0x89: {  	(tag) =	ssettag $0x2  }
0x8a: {  	s0 =	rddreg [dreg:$0x0];
	s2 =	stileid.u32  }
0x8b: {  	s1 =	rddreg [dreg:$0x1];
	p0 =	sne.s32 s2, $0x0  }
0x8c: {  	s3 =	rddreg [dreg:$0x2];
	[bflag:$0x3] =	sbarrier.arrive $0xFFFF;
	s2 =	simm.s32 @!p0 $0x1C0F  }
0x8d: {  	[timem:s3], [sflag:s2] =	dma.local @!p0 [hbm:s0], s1  }
0x8e: {  	s0 =	simm.s32 @!p0 $0xF  }
0x8f: {  	_ =	swait.ge @!p0 [sflag:s0], s1  }
0x90: {  	s1 =	ssub.s32 @!p0 $0x0, s1;
	[sflag:s0] =	ssyncset.done @!p0 $0x0  }
0x91: {  	[sflag:s0] =	ssyncadd.s32 @!p0 s1  }
0x92: {  	[bflag:$0x3] =	sbarrier.arrive $0xFFFF  }
0x93: {  	_ =	shalt  }

</sc_bundles>
